<compile_context>
chip_gen: v7x
topology: tpu7x:2x2x1
jax: 0.10.2.dev20260603
libtpu: 0.0.44.dev20260713+nightly
codegen_flags: <defaults>
</compile_context>

<pallas_src>
import functools

import jax
import jax.numpy as jnp
from jax import lax
from jax.experimental import pallas as pl
from jax.experimental.pallas import tpu as pltpu
from jax.experimental.pallas import tpu_sc as plsc

B = 16384
N_WORDS = 3
WORD_DIM = 32
HIDDEN = 256
OUT = 64
WIDE = 128
PACK = WIDE // WORD_DIM
NSLOT = 2 * PACK
S = 1 << 17
VOCAB = 1000000

WB = 8192
TGRID = S // WB
CPB = S // WB

_LAST_BLK = (VOCAB - 1) // WB


def _bf16_bits(x_i32):
    lsb = jnp.bitwise_and(lax.shift_right_logical(x_i32, 16), 1)
    return lax.shift_right_logical(x_i32 + 0x7FFF + lsb, 16)


def _tr_body(x0, x1, x2, x3, x4, x5, x6, x7, out):
    lo = jnp.concatenate([x0[...], x1[...], x2[...], x3[...]], axis=0).T
    hi = jnp.concatenate([x4[...], x5[...], x6[...], x7[...]], axis=0).T
    lob = _bf16_bits(lax.bitcast_convert_type(lo, jnp.int32))
    hib = _bf16_bits(lax.bitcast_convert_type(hi, jnp.int32))
    out[...] = jnp.bitwise_or(lax.shift_left(hib, 16), lob)


def _tr_spec(j):
    return pl.BlockSpec(
        (WORD_DIM, WB),
        lambda i, j=j: (0, jnp.minimum(i + j * CPB, _LAST_BLK)))


_transpose = pl.pallas_call(
    _tr_body,
    grid=(TGRID,),
    in_specs=[_tr_spec(j) for j in range(NSLOT)],
    out_specs=pl.BlockSpec((WB, WIDE), lambda i: (i, 0)),
    out_shape=jax.ShapeDtypeStruct((S, WIDE), jnp.int32),
)

NC = 2
NS = 16
NW = NC * NS
CHUNK = 128
NBUF = 6

_sc_mesh = plsc.VectorSubcoreMesh(core_axis_name="c", subcore_axis_name="s")


def _make_gather(n_feat):
    rows = n_feat * (B // NW)
    nch = rows // CHUNK

    @functools.partial(
        pl.kernel,
        mesh=_sc_mesh,
        out_type=[jax.ShapeDtypeStruct((B, WIDE), jnp.int32)
                  for _ in range(n_feat)],
        scratch_types=[
            pltpu.VMEM((rows,), jnp.int32),
            pltpu.VMEM((NBUF, CHUNK, WIDE), jnp.int32),
        ] + [pltpu.SemaphoreType.DMA for _ in range(2 * NBUF)],
        compiler_params=pltpu.CompilerParams(use_tc_tiling_on_sc=True),
    )
    def gather(wide_idx, table, *rest):
        outs = rest[:n_feat]
        idx_v, bufs = rest[n_feat:n_feat + 2]
        sems = rest[n_feat + 2:]
        gsem = sems[:NBUF]
        osem = sems[NBUF:]
        wid = lax.axis_index("s") * NC + lax.axis_index("c")
        rpw = B // NW
        ncpf = rpw // CHUNK
        for f in range(n_feat):
            pltpu.sync_copy(wide_idx.at[pl.ds(f * B + wid * rpw, rpw)],
                            idx_v.at[pl.ds(f * rpw, rpw)])

        def fire_gather(j):
            return pltpu.async_copy(
                table.at[idx_v.at[pl.ds(j * CHUNK, CHUNK)]],
                bufs.at[j % NBUF], gsem[j % NBUF])

        def fire_out(j):
            f, c = divmod(j, ncpf)
            return pltpu.async_copy(
                bufs.at[j % NBUF],
                outs[f].at[pl.ds(wid * rpw + c * CHUNK, CHUNK)],
                osem[j % NBUF])

        g = [None] * nch
        o = [None] * nch
        for j in range(nch):
            if j >= NBUF:
                o[j - NBUF].wait()
            g[j] = fire_gather(j)
            k = j - (NBUF - 1)
            if k >= 0:
                g[k].wait()
                o[k] = fire_out(k)
        for k in range(max(0, nch - NBUF + 1), nch):
            g[k].wait()
            o[k] = fire_out(k)
        for k in range(max(0, nch - NBUF), nch):
            o[k].wait()

    return gather


_gather_words = _make_gather(N_WORDS)
_gather_tags = _make_gather(1)

BLK = 4096
NFEAT = N_WORDS + 1


def _mlp_body(w0_ref, w1_ref, w2_ref, t_ref, feat_ref,
              wh_ref, bh_ref, wo_ref, bo_ref, out_ref):
    feat = feat_ref[...]
    lane_grp = jax.lax.broadcasted_iota(jnp.int32, (1, WIDE), 1) // WORD_DIM
    h = bh_ref[...]
    wides = (w0_ref, w1_ref, w2_ref, t_ref)
    for k in range(NFEAT):
        off = lax.shift_right_logical(feat[:, k:k + 1], 17)
        use_hi = off >= PACK
        grp = jnp.bitwise_and(off, PACK - 1)
        x = wides[k][...]
        lo_f = lax.bitcast_convert_type(lax.shift_left(x, 16), jnp.float32)
        hi_f = lax.bitcast_convert_type(
            jnp.bitwise_and(x, jnp.int32(-65536)), jnp.float32)
        val = jnp.where(use_hi, hi_f, lo_f)
        mask = (grp == lane_grp).astype(jnp.float32)
        wstk = jnp.concatenate(
            [wh_ref[WORD_DIM * k:WORD_DIM * (k + 1), :]] * PACK, axis=0)
        h = h + jnp.dot(val * mask, wstk,
                        preferred_element_type=jnp.float32)
    h = jnp.maximum(h, 0.0)
    out_ref[...] = (jnp.dot(h, wo_ref[...],
                            preferred_element_type=jnp.float32)
                    + bo_ref[...]).T


_mlp = pl.pallas_call(
    _mlp_body,
    grid=(B // BLK,),
    in_specs=[
        pl.BlockSpec((BLK, WIDE), lambda i: (i, 0)),
        pl.BlockSpec((BLK, WIDE), lambda i: (i, 0)),
        pl.BlockSpec((BLK, WIDE), lambda i: (i, 0)),
        pl.BlockSpec((BLK, WIDE), lambda i: (i, 0)),
        pl.BlockSpec((BLK, NFEAT), lambda i: (i, 0)),
        pl.BlockSpec((NFEAT * WORD_DIM, HIDDEN), lambda i: (0, 0)),
        pl.BlockSpec((1, HIDDEN), lambda i: (0, 0)),
        pl.BlockSpec((HIDDEN, OUT), lambda i: (0, 0)),
        pl.BlockSpec((1, OUT), lambda i: (0, 0)),
    ],
    out_specs=pl.BlockSpec((OUT, BLK), lambda i: (0, i)),
    out_shape=jax.ShapeDtypeStruct((OUT, B), jnp.float32),
)


def kernel(features, word_table, tag_table, W_h, b_h, W_o, b_o):
    widx = features & (S - 1)
    word_idx = widx[:, :N_WORDS].T.reshape(-1)
    tag_idx = widx[:, N_WORDS]
    word_tw = _transpose(*([word_table.T] * NSLOT))
    w0, w1, w2 = _gather_words(word_idx, word_tw)
    tag_tw = _transpose(*([tag_table.T] * NSLOT))
    t, = _gather_tags(tag_idx, tag_tw)
    out_t = _mlp(w0, w1, w2, t, features, W_h, b_h.reshape(1, HIDDEN),
                 W_o, b_o.reshape(1, OUT))
    return out_t.T

# --- scband reference (transcript-rebuilt; emitter-appended) ---
"""Pipeline reference for scband-fixed-window-tagger-model-25675314495518 (READ-ONLY COPY).

The authoritative reference and input builder live on the scoring server;
editing this copy changes nothing except your own understanding.
"""

import jax, jax.numpy as jnp
import numpy as np

B = 16384
N_WORDS = 3
VOCAB = 1000000
WORD_DIM = 32
TAGS_SIZE = 1000000
TAG_DIM = 32
HIDDEN = 256
OUT = 64
IN_DIM = N_WORDS * WORD_DIM + 1 * TAG_DIM


def setup_inputs(seed: int = 0) -> dict:
    key = jax.random.key(seed)
    k1, k2, k3, k4, k5, k6, k7 = jax.random.split(key, 7)
    features = jax.random.randint(k1, (B, N_WORDS + 1), 0, VOCAB, dtype=jnp.int32)
    word_table = jax.random.normal(k2, (VOCAB, WORD_DIM), dtype=jnp.float32) * 0.02
    word_table = word_table.at[0].set(0.0)  # padding_idx=0
    tag_table = jax.random.normal(k3, (TAGS_SIZE, TAG_DIM), dtype=jnp.float32) * 0.02
    tag_table = tag_table.at[0].set(0.0)  # padding_idx=0
    W_h = jax.random.normal(k4, (IN_DIM, HIDDEN), dtype=jnp.float32) * (1.0 / np.sqrt(IN_DIM))
    b_h = jax.random.normal(k5, (HIDDEN,), dtype=jnp.float32) * 0.01
    W_o = jax.random.normal(k6, (HIDDEN, OUT), dtype=jnp.float32) * (1.0 / np.sqrt(HIDDEN))
    b_o = jax.random.normal(k7, (OUT,), dtype=jnp.float32) * 0.01
    return {"features": features, "word_table": word_table, "tag_table": tag_table,
            "W_h": W_h, "b_h": b_h, "W_o": W_o, "b_o": b_o}


def reference(features, word_table, tag_table, W_h, b_h, W_o, b_o):
    batch_size = features.shape[0]
    words = features[:, :-1]              # [B, N_WORDS]
    tags = features[:, -1]                # [B]
    word_embs = jnp.take(word_table, words, axis=0)   # [B, N_WORDS, WORD_DIM]
    tag_embs = jnp.take(tag_table, tags, axis=0)      # [B, TAG_DIM]
    concat_words = word_embs.reshape(batch_size, -1)  # [B, N_WORDS*WORD_DIM]
    concat_embs = jnp.concatenate([concat_words, tag_embs], axis=1)
    hidden = concat_embs @ W_h + b_h
    relu = jax.nn.relu(hidden)
    output = relu @ W_o + b_o
    return output

if __name__ == "__main__":
    import jax
    _d = setup_inputs()
    print(jax.jit(kernel)(*tuple(_d.values())))

</pallas_src>

<mosaic_0001>
#map = affine_map<(d0, d1) -> (0)>
#map1 = affine_map<(d0, d1) -> (0, 0)>
module attributes {stable_mosaic.version = 14 : i64} {
  func.func @gather(%arg0: i32, %arg1: i32, %arg2: memref<16384xi32, #tpu.memory_space<hbm>>, %arg3: memref<131072x128xi32, #tpu.memory_space<hbm>>, %arg4: memref<16384x128xi32, #tpu.memory_space<hbm>>, %arg5: memref<512xi32, #tpu.memory_space<vmem>>, %arg6: memref<6x128x128xi32, #tpu.memory_space<vmem>>, %arg7: memref<!tpu.dma_semaphore, #tpu.memory_space<semaphore_mem>>, %arg8: memref<!tpu.dma_semaphore, #tpu.memory_space<semaphore_mem>>, %arg9: memref<!tpu.dma_semaphore, #tpu.memory_space<semaphore_mem>>, %arg10: memref<!tpu.dma_semaphore, #tpu.memory_space<semaphore_mem>>, %arg11: memref<!tpu.dma_semaphore, #tpu.memory_space<semaphore_mem>>, %arg12: memref<!tpu.dma_semaphore, #tpu.memory_space<semaphore_mem>>, %arg13: memref<!tpu.dma_semaphore, #tpu.memory_space<semaphore_mem>>, %arg14: memref<!tpu.dma_semaphore, #tpu.memory_space<semaphore_mem>>, %arg15: memref<!tpu.dma_semaphore, #tpu.memory_space<semaphore_mem>>, %arg16: memref<!tpu.dma_semaphore, #tpu.memory_space<semaphore_mem>>, %arg17: memref<!tpu.dma_semaphore, #tpu.memory_space<semaphore_mem>>, %arg18: memref<!tpu.dma_semaphore, #tpu.memory_space<semaphore_mem>>) attributes {dimension_semantics = [#tpu.dimension_semantics<core_parallel>, #tpu.dimension_semantics<subcore_parallel>], iteration_bounds = array<i64: 2, 16>, scalar_prefetch = 0 : i64, scratch_operands = 14 : i64, tpu.core_type = #tpu.core_type<sc_vector_subcore>, window_params = [{transform_indices = #map}, {transform_indices = #map1}, {transform_indices = #map1}]} {
    %mul3A = arith.constant 2 : i32
    %mul3A_0 = arith.muli %arg1, %mul3A : i32
    %add3A = arith.addi %mul3A_0, %arg0 : i32
    %mul3A_1 = arith.constant 512 : i32
    %mul3A_2 = arith.muli %add3A, %mul3A_1 : i32
    %add3A_3 = arith.constant 0 : i32
    %add3A_4 = arith.addi %add3A_3, %mul3A_2 : i32
    "tpu.region"() ({
      %run_scoped3A = tpu.sem_alloc : memref<!tpu.dma_semaphore, #tpu.memory_space<semaphore_mem>>
      %dma_start3A_203 = arith.constant 0 : i32
      %dma_start3A_204 = tpu.memref_slice %arg5[%dma_start3A_203] : memref<512xi32, #tpu.memory_space<vmem>> -> memref<512xi32, #tpu.memory_space<vmem>>
      %dma_start3A_205 = tpu.memref_slice %arg2[%add3A_4] : memref<16384xi32, #tpu.memory_space<hbm>> -> memref<512xi32, #tpu.memory_space<hbm>>
      %dma_start3A_206 = arith.constant 0 : i32
      %dma_start3A_207 = tpu.memref_slice %arg5[%dma_start3A_206] : memref<512xi32, #tpu.memory_space<vmem>> -> memref<512xi32, #tpu.memory_space<vmem>>
      %dma_start3A_208 = tpu.memref_slice %arg2[%add3A_4] : memref<16384xi32, #tpu.memory_space<hbm>> -> memref<512xi32, #tpu.memory_space<hbm>>
      tpu.enqueue_dma source(%dma_start3A_208 : memref<512xi32, #tpu.memory_space<hbm>>) target(%dma_start3A_207 : memref<512xi32, #tpu.memory_space<vmem>>) target_semaphore(%run_scoped3A : memref<!tpu.dma_semaphore, #tpu.memory_space<semaphore_mem>>)
      %dma_wait3A_209 = arith.constant 0 : i32
      %dma_wait3A_210 = tpu.memref_slice %arg5[%dma_wait3A_209] : memref<512xi32, #tpu.memory_space<vmem>> -> memref<512xi32, #tpu.memory_space<vmem>>
      %dma_wait3A_211 = tpu.memref_slice %arg2[%add3A_4] : memref<16384xi32, #tpu.memory_space<hbm>> -> memref<512xi32, #tpu.memory_space<hbm>>
      %dma_wait3A_212 = arith.constant 0 : i32
      %dma_wait3A_213 = tpu.memref_slice %arg5[%dma_wait3A_212] : memref<512xi32, #tpu.memory_space<vmem>> -> memref<512xi32, #tpu.memory_space<vmem>>
      %dma_wait3A_214 = tpu.memref_slice %arg2[%add3A_4] : memref<16384xi32, #tpu.memory_space<hbm>> -> memref<512xi32, #tpu.memory_space<hbm>>
      tpu.wait_dma2 semaphore(%run_scoped3A : memref<!tpu.dma_semaphore, #tpu.memory_space<semaphore_mem>>) src(%dma_wait3A_214 : memref<512xi32, #tpu.memory_space<hbm>>) dst(%dma_wait3A_213 : memref<512xi32, #tpu.memory_space<vmem>>)
      tpu.yield
    }) : () -> ()
    %dma_start3A = arith.constant 0 : i32
    %dma_start3A_5 = arith.constant 0 : i32
    %dma_start3A_6 = arith.constant 0 : i32
    %dma_start3A_7 = tpu.memref_slice %arg6[%dma_start3A, %dma_start3A_5, %dma_start3A_6] : memref<6x128x128xi32, #tpu.memory_space<vmem>> -> memref<1x128x128xi32, #tpu.memory_space<vmem>>
    %dma_start3A_8 = tpu.memref_squeeze %dma_start3A_7 : memref<1x128x128xi32, #tpu.memory_space<vmem>> -> memref<128x128xi32, #tpu.memory_space<vmem>>
    %dma_start3A_9 = arith.constant 0 : i32
    %dma_start3A_10 = tpu.memref_slice %arg5[%dma_start3A_9] : memref<512xi32, #tpu.memory_space<vmem>> -> memref<128xi32, #tpu.memory_space<vmem>>
    %dma_start3A_11 = arith.constant 0 : i32
    %dma_start3A_12 = arith.constant 0 : i32
    %dma_start3A_13 = tpu.memref_slice %arg3[%dma_start3A_11, %dma_start3A_12] : memref<131072x128xi32, #tpu.memory_space<hbm>> -> memref<131072x128xi32, #tpu.memory_space<hbm>>
    tpu.enqueue_indirect_dma source(%dma_start3A_13 : memref<131072x128xi32, #tpu.memory_space<hbm>>) target(%dma_start3A_8 : memref<128x128xi32, #tpu.memory_space<vmem>>) offsets(%dma_start3A_10 : memref<128xi32, #tpu.memory_space<vmem>>) semaphore(%arg7 : memref<!tpu.dma_semaphore, #tpu.memory_space<semaphore_mem>>)
    %dma_start3A_14 = arith.constant 1 : i32
    %dma_start3A_15 = arith.constant 0 : i32
    %dma_start3A_16 = arith.constant 0 : i32
    %dma_start3A_17 = tpu.memref_slice %arg6[%dma_start3A_14, %dma_start3A_15, %dma_start3A_16] : memref<6x128x128xi32, #tpu.memory_space<vmem>> -> memref<1x128x128xi32, #tpu.memory_space<vmem>>
    %dma_start3A_18 = tpu.memref_squeeze %dma_start3A_17 : memref<1x128x128xi32, #tpu.memory_space<vmem>> -> memref<128x128xi32, #tpu.memory_space<vmem>>
    %dma_start3A_19 = arith.constant 128 : i32
    %dma_start3A_20 = tpu.memref_slice %arg5[%dma_start3A_19] : memref<512xi32, #tpu.memory_space<vmem>> -> memref<128xi32, #tpu.memory_space<vmem>>
    %dma_start3A_21 = arith.constant 0 : i32
    %dma_start3A_22 = arith.constant 0 : i32
    %dma_start3A_23 = tpu.memref_slice %arg3[%dma_start3A_21, %dma_start3A_22] : memref<131072x128xi32, #tpu.memory_space<hbm>> -> memref<131072x128xi32, #tpu.memory_space<hbm>>
    tpu.enqueue_indirect_dma source(%dma_start3A_23 : memref<131072x128xi32, #tpu.memory_space<hbm>>) target(%dma_start3A_18 : memref<128x128xi32, #tpu.memory_space<vmem>>) offsets(%dma_start3A_20 : memref<128xi32, #tpu.memory_space<vmem>>) semaphore(%arg8 : memref<!tpu.dma_semaphore, #tpu.memory_space<semaphore_mem>>)
    %dma_start3A_24 = arith.constant 2 : i32
    %dma_start3A_25 = arith.constant 0 : i32
    %dma_start3A_26 = arith.constant 0 : i32
    %dma_start3A_27 = tpu.memref_slice %arg6[%dma_start3A_24, %dma_start3A_25, %dma_start3A_26] : memref<6x128x128xi32, #tpu.memory_space<vmem>> -> memref<1x128x128xi32, #tpu.memory_space<vmem>>
    %dma_start3A_28 = tpu.memref_squeeze %dma_start3A_27 : memref<1x128x128xi32, #tpu.memory_space<vmem>> -> memref<128x128xi32, #tpu.memory_space<vmem>>
    %dma_start3A_29 = arith.constant 256 : i32
    %dma_start3A_30 = tpu.memref_slice %arg5[%dma_start3A_29] : memref<512xi32, #tpu.memory_space<vmem>> -> memref<128xi32, #tpu.memory_space<vmem>>
    %dma_start3A_31 = arith.constant 0 : i32
    %dma_start3A_32 = arith.constant 0 : i32
    %dma_start3A_33 = tpu.memref_slice %arg3[%dma_start3A_31, %dma_start3A_32] : memref<131072x128xi32, #tpu.memory_space<hbm>> -> memref<131072x128xi32, #tpu.memory_space<hbm>>
    tpu.enqueue_indirect_dma source(%dma_start3A_33 : memref<131072x128xi32, #tpu.memory_space<hbm>>) target(%dma_start3A_28 : memref<128x128xi32, #tpu.memory_space<vmem>>) offsets(%dma_start3A_30 : memref<128xi32, #tpu.memory_space<vmem>>) semaphore(%arg9 : memref<!tpu.dma_semaphore, #tpu.memory_space<semaphore_mem>>)
    %dma_start3A_34 = arith.constant 3 : i32
    %dma_start3A_35 = arith.constant 0 : i32
    %dma_start3A_36 = arith.constant 0 : i32
    %dma_start3A_37 = tpu.memref_slice %arg6[%dma_start3A_34, %dma_start3A_35, %dma_start3A_36] : memref<6x128x128xi32, #tpu.memory_space<vmem>> -> memref<1x128x128xi32, #tpu.memory_space<vmem>>
    %dma_start3A_38 = tpu.memref_squeeze %dma_start3A_37 : memref<1x128x128xi32, #tpu.memory_space<vmem>> -> memref<128x128xi32, #tpu.memory_space<vmem>>
    %dma_start3A_39 = arith.constant 384 : i32
    %dma_start3A_40 = tpu.memref_slice %arg5[%dma_start3A_39] : memref<512xi32, #tpu.memory_space<vmem>> -> memref<128xi32, #tpu.memory_space<vmem>>
    %dma_start3A_41 = arith.constant 0 : i32
    %dma_start3A_42 = arith.constant 0 : i32
    %dma_start3A_43 = tpu.memref_slice %arg3[%dma_start3A_41, %dma_start3A_42] : memref<131072x128xi32, #tpu.memory_space<hbm>> -> memref<131072x128xi32, #tpu.memory_space<hbm>>
    tpu.enqueue_indirect_dma source(%dma_start3A_43 : memref<131072x128xi32, #tpu.memory_space<hbm>>) target(%dma_start3A_38 : memref<128x128xi32, #tpu.memory_space<vmem>>) offsets(%dma_start3A_40 : memref<128xi32, #tpu.memory_space<vmem>>) semaphore(%arg10 : memref<!tpu.dma_semaphore, #tpu.memory_space<semaphore_mem>>)
    %dma_wait3A = arith.constant 0 : i32
    %dma_wait3A_44 = arith.constant 0 : i32
    %dma_wait3A_45 = arith.constant 0 : i32
    %dma_wait3A_46 = tpu.memref_slice %arg6[%dma_wait3A, %dma_wait3A_44, %dma_wait3A_45] : memref<6x128x128xi32, #tpu.memory_space<vmem>> -> memref<1x128x128xi32, #tpu.memory_space<vmem>>
    %dma_wait3A_47 = tpu.memref_squeeze %dma_wait3A_46 : memref<1x128x128xi32, #tpu.memory_space<vmem>> -> memref<128x128xi32, #tpu.memory_space<vmem>>
    %dma_wait3A_48 = arith.constant 0 : i32
    %dma_wait3A_49 = tpu.memref_slice %arg5[%dma_wait3A_48] : memref<512xi32, #tpu.memory_space<vmem>> -> memref<128xi32, #tpu.memory_space<vmem>>
    %dma_wait3A_50 = arith.constant 0 : i32
    %dma_wait3A_51 = arith.constant 0 : i32
    %dma_wait3A_52 = tpu.memref_slice %arg3[%dma_wait3A_50, %dma_wait3A_51] : memref<131072x128xi32, #tpu.memory_space<hbm>> -> memref<131072x128xi32, #tpu.memory_space<hbm>>
    tpu.wait_indirect_dma semaphore(%arg7 : memref<!tpu.dma_semaphore, #tpu.memory_space<semaphore_mem>>) src(%dma_wait3A_52 : memref<131072x128xi32, #tpu.memory_space<hbm>>) dst(%dma_wait3A_47 : memref<128x128xi32, #tpu.memory_space<vmem>>)
    %mul3A_53 = arith.constant 512 : i32
    %mul3A_54 = arith.muli %add3A, %mul3A_53 : i32
    %add3A_55 = arith.constant 0 : i32
    %add3A_56 = arith.addi %mul3A_54, %add3A_55 : i32
    %dma_start3A_57 = arith.constant 0 : i32
    %dma_start3A_58 = arith.constant 0 : i32
    %dma_start3A_59 = arith.constant 0 : i32
    %dma_start3A_60 = tpu.memref_slice %arg6[%dma_start3A_57, %dma_start3A_58, %dma_start3A_59] : memref<6x128x128xi32, #tpu.memory_space<vmem>> -> memref<1x128x128xi32, #tpu.memory_space<vmem>>
    %dma_start3A_61 = tpu.memref_squeeze %dma_start3A_60 : memref<1x128x128xi32, #tpu.memory_space<vmem>> -> memref<128x128xi32, #tpu.memory_space<vmem>>
    %dma_start3A_62 = arith.constant 0 : i32
    %dma_start3A_63 = tpu.memref_slice %arg4[%add3A_56, %dma_start3A_62] : memref<16384x128xi32, #tpu.memory_space<hbm>> -> memref<128x128xi32, #tpu.memory_space<hbm>>
    %dma_start3A_64 = arith.constant 0 : i32
    %dma_start3A_65 = tpu.memref_slice %arg4[%add3A_56, %dma_start3A_64] : memref<16384x128xi32, #tpu.memory_space<hbm>> -> memref<128x128xi32, #tpu.memory_space<hbm>>
    %dma_start3A_66 = arith.constant 0 : i32
    %dma_start3A_67 = arith.constant 0 : i32
    %dma_start3A_68 = tpu.memref_slice %arg6[%dma_start3A_57, %dma_start3A_66, %dma_start3A_67] : memref<6x128x128xi32, #tpu.memory_space<vmem>> -> memref<1x128x128xi32, #tpu.memory_space<vmem>>
    %dma_start3A_69 = tpu.memref_squeeze %dma_start3A_68 : memref<1x128x128xi32, #tpu.memory_space<vmem>> -> memref<128x128xi32, #tpu.memory_space<vmem>>
    tpu.enqueue_dma source(%dma_start3A_69 : memref<128x128xi32, #tpu.memory_space<vmem>>) target(%dma_start3A_65 : memref<128x128xi32, #tpu.memory_space<hbm>>) target_semaphore(%arg13 : memref<!tpu.dma_semaphore, #tpu.memory_space<semaphore_mem>>)
    %dma_wait3A_70 = arith.constant 1 : i32
    %dma_wait3A_71 = arith.constant 0 : i32
    %dma_wait3A_72 = arith.constant 0 : i32
    %dma_wait3A_73 = tpu.memref_slice %arg6[%dma_wait3A_70, %dma_wait3A_71, %dma_wait3A_72] : memref<6x128x128xi32, #tpu.memory_space<vmem>> -> memref<1x128x128xi32, #tpu.memory_space<vmem>>
    %dma_wait3A_74 = tpu.memref_squeeze %dma_wait3A_73 : memref<1x128x128xi32, #tpu.memory_space<vmem>> -> memref<128x128xi32, #tpu.memory_space<vmem>>
    %dma_wait3A_75 = arith.constant 128 : i32
    %dma_wait3A_76 = tpu.memref_slice %arg5[%dma_wait3A_75] : memref<512xi32, #tpu.memory_space<vmem>> -> memref<128xi32, #tpu.memory_space<vmem>>
    %dma_wait3A_77 = arith.constant 0 : i32
    %dma_wait3A_78 = arith.constant 0 : i32
    %dma_wait3A_79 = tpu.memref_slice %arg3[%dma_wait3A_77, %dma_wait3A_78] : memref<131072x128xi32, #tpu.memory_space<hbm>> -> memref<131072x128xi32, #tpu.memory_space<hbm>>
    tpu.wait_indirect_dma semaphore(%arg8 : memref<!tpu.dma_semaphore, #tpu.memory_space<semaphore_mem>>) src(%dma_wait3A_79 : memref<131072x128xi32, #tpu.memory_space<hbm>>) dst(%dma_wait3A_74 : memref<128x128xi32, #tpu.memory_space<vmem>>)
    %mul3A_80 = arith.constant 512 : i32
    %mul3A_81 = arith.muli %add3A, %mul3A_80 : i32
    %add3A_82 = arith.constant 128 : i32
    %add3A_83 = arith.addi %mul3A_81, %add3A_82 : i32
    %dma_start3A_84 = arith.constant 1 : i32
    %dma_start3A_85 = arith.constant 0 : i32
    %dma_start3A_86 = arith.constant 0 : i32
    %dma_start3A_87 = tpu.memref_slice %arg6[%dma_start3A_84, %dma_start3A_85, %dma_start3A_86] : memref<6x128x128xi32, #tpu.memory_space<vmem>> -> memref<1x128x128xi32, #tpu.memory_space<vmem>>
    %dma_start3A_88 = tpu.memref_squeeze %dma_start3A_87 : memref<1x128x128xi32, #tpu.memory_space<vmem>> -> memref<128x128xi32, #tpu.memory_space<vmem>>
    %dma_start3A_89 = arith.constant 0 : i32
    %dma_start3A_90 = tpu.memref_slice %arg4[%add3A_83, %dma_start3A_89] : memref<16384x128xi32, #tpu.memory_space<hbm>> -> memref<128x128xi32, #tpu.memory_space<hbm>>
    %dma_start3A_91 = arith.constant 0 : i32
    %dma_start3A_92 = tpu.memref_slice %arg4[%add3A_83, %dma_start3A_91] : memref<16384x128xi32, #tpu.memory_space<hbm>> -> memref<128x128xi32, #tpu.memory_space<hbm>>
    %dma_start3A_93 = arith.constant 0 : i32
    %dma_start3A_94 = arith.constant 0 : i32
    %dma_start3A_95 = tpu.memref_slice %arg6[%dma_start3A_84, %dma_start3A_93, %dma_start3A_94] : memref<6x128x128xi32, #tpu.memory_space<vmem>> -> memref<1x128x128xi32, #tpu.memory_space<vmem>>
    %dma_start3A_96 = tpu.memref_squeeze %dma_start3A_95 : memref<1x128x128xi32, #tpu.memory_space<vmem>> -> memref<128x128xi32, #tpu.memory_space<vmem>>
    tpu.enqueue_dma source(%dma_start3A_96 : memref<128x128xi32, #tpu.memory_space<vmem>>) target(%dma_start3A_92 : memref<128x128xi32, #tpu.memory_space<hbm>>) target_semaphore(%arg14 : memref<!tpu.dma_semaphore, #tpu.memory_space<semaphore_mem>>)
    %dma_wait3A_97 = arith.constant 2 : i32
    %dma_wait3A_98 = arith.constant 0 : i32
    %dma_wait3A_99 = arith.constant 0 : i32
    %dma_wait3A_100 = tpu.memref_slice %arg6[%dma_wait3A_97, %dma_wait3A_98, %dma_wait3A_99] : memref<6x128x128xi32, #tpu.memory_space<vmem>> -> memref<1x128x128xi32, #tpu.memory_space<vmem>>
    %dma_wait3A_101 = tpu.memref_squeeze %dma_wait3A_100 : memref<1x128x128xi32, #tpu.memory_space<vmem>> -> memref<128x128xi32, #tpu.memory_space<vmem>>
    %dma_wait3A_102 = arith.constant 256 : i32
    %dma_wait3A_103 = tpu.memref_slice %arg5[%dma_wait3A_102] : memref<512xi32, #tpu.memory_space<vmem>> -> memref<128xi32, #tpu.memory_space<vmem>>
    %dma_wait3A_104 = arith.constant 0 : i32
    %dma_wait3A_105 = arith.constant 0 : i32
    %dma_wait3A_106 = tpu.memref_slice %arg3[%dma_wait3A_104, %dma_wait3A_105] : memref<131072x128xi32, #tpu.memory_space<hbm>> -> memref<131072x128xi32, #tpu.memory_space<hbm>>
    tpu.wait_indirect_dma semaphore(%arg9 : memref<!tpu.dma_semaphore, #tpu.memory_space<semaphore_mem>>) src(%dma_wait3A_106 : memref<131072x128xi32, #tpu.memory_space<hbm>>) dst(%dma_wait3A_101 : memref<128x128xi32, #tpu.memory_space<vmem>>)
    %mul3A_107 = arith.constant 512 : i32
    %mul3A_108 = arith.muli %add3A, %mul3A_107 : i32
    %add3A_109 = arith.constant 256 : i32
    %add3A_110 = arith.addi %mul3A_108, %add3A_109 : i32
    %dma_start3A_111 = arith.constant 2 : i32
    %dma_start3A_112 = arith.constant 0 : i32
    %dma_start3A_113 = arith.constant 0 : i32
    %dma_start3A_114 = tpu.memref_slice %arg6[%dma_start3A_111, %dma_start3A_112, %dma_start3A_113] : memref<6x128x128xi32, #tpu.memory_space<vmem>> -> memref<1x128x128xi32, #tpu.memory_space<vmem>>
    %dma_start3A_115 = tpu.memref_squeeze %dma_start3A_114 : memref<1x128x128xi32, #tpu.memory_space<vmem>> -> memref<128x128xi32, #tpu.memory_space<vmem>>
    %dma_start3A_116 = arith.constant 0 : i32
    %dma_start3A_117 = tpu.memref_slice %arg4[%add3A_110, %dma_start3A_116] : memref<16384x128xi32, #tpu.memory_space<hbm>> -> memref<128x128xi32, #tpu.memory_space<hbm>>
    %dma_start3A_118 = arith.constant 0 : i32
    %dma_start3A_119 = tpu.memref_slice %arg4[%add3A_110, %dma_start3A_118] : memref<16384x128xi32, #tpu.memory_space<hbm>> -> memref<128x128xi32, #tpu.memory_space<hbm>>
    %dma_start3A_120 = arith.constant 0 : i32
    %dma_start3A_121 = arith.constant 0 : i32
    %dma_start3A_122 = tpu.memref_slice %arg6[%dma_start3A_111, %dma_start3A_120, %dma_start3A_121] : memref<6x128x128xi32, #tpu.memory_space<vmem>> -> memref<1x128x128xi32, #tpu.memory_space<vmem>>
    %dma_start3A_123 = tpu.memref_squeeze %dma_start3A_122 : memref<1x128x128xi32, #tpu.memory_space<vmem>> -> memref<128x128xi32, #tpu.memory_space<vmem>>
    tpu.enqueue_dma source(%dma_start3A_123 : memref<128x128xi32, #tpu.memory_space<vmem>>) target(%dma_start3A_119 : memref<128x128xi32, #tpu.memory_space<hbm>>) target_semaphore(%arg15 : memref<!tpu.dma_semaphore, #tpu.memory_space<semaphore_mem>>)
    %dma_wait3A_124 = arith.constant 3 : i32
    %dma_wait3A_125 = arith.constant 0 : i32
    %dma_wait3A_126 = arith.constant 0 : i32
    %dma_wait3A_127 = tpu.memref_slice %arg6[%dma_wait3A_124, %dma_wait3A_125, %dma_wait3A_126] : memref<6x128x128xi32, #tpu.memory_space<vmem>> -> memref<1x128x128xi32, #tpu.memory_space<vmem>>
    %dma_wait3A_128 = tpu.memref_squeeze %dma_wait3A_127 : memref<1x128x128xi32, #tpu.memory_space<vmem>> -> memref<128x128xi32, #tpu.memory_space<vmem>>
    %dma_wait3A_129 = arith.constant 384 : i32
    %dma_wait3A_130 = tpu.memref_slice %arg5[%dma_wait3A_129] : memref<512xi32, #tpu.memory_space<vmem>> -> memref<128xi32, #tpu.memory_space<vmem>>
    %dma_wait3A_131 = arith.constant 0 : i32
    %dma_wait3A_132 = arith.constant 0 : i32
    %dma_wait3A_133 = tpu.memref_slice %arg3[%dma_wait3A_131, %dma_wait3A_132] : memref<131072x128xi32, #tpu.memory_space<hbm>> -> memref<131072x128xi32, #tpu.memory_space<hbm>>
    tpu.wait_indirect_dma semaphore(%arg10 : memref<!tpu.dma_semaphore, #tpu.memory_space<semaphore_mem>>) src(%dma_wait3A_133 : memref<131072x128xi32, #tpu.memory_space<hbm>>) dst(%dma_wait3A_128 : memref<128x128xi32, #tpu.memory_space<vmem>>)
    %mul3A_134 = arith.constant 512 : i32
    %mul3A_135 = arith.muli %add3A, %mul3A_134 : i32
    %add3A_136 = arith.constant 384 : i32
    %add3A_137 = arith.addi %mul3A_135, %add3A_136 : i32
    %dma_start3A_138 = arith.constant 3 : i32
    %dma_start3A_139 = arith.constant 0 : i32
    %dma_start3A_140 = arith.constant 0 : i32
    %dma_start3A_141 = tpu.memref_slice %arg6[%dma_start3A_138, %dma_start3A_139, %dma_start3A_140] : memref<6x128x128xi32, #tpu.memory_space<vmem>> -> memref<1x128x128xi32, #tpu.memory_space<vmem>>
    %dma_start3A_142 = tpu.memref_squeeze %dma_start3A_141 : memref<1x128x128xi32, #tpu.memory_space<vmem>> -> memref<128x128xi32, #tpu.memory_space<vmem>>
    %dma_start3A_143 = arith.constant 0 : i32
    %dma_start3A_144 = tpu.memref_slice %arg4[%add3A_137, %dma_start3A_143] : memref<16384x128xi32, #tpu.memory_space<hbm>> -> memref<128x128xi32, #tpu.memory_space<hbm>>
    %dma_start3A_145 = arith.constant 0 : i32
    %dma_start3A_146 = tpu.memref_slice %arg4[%add3A_137, %dma_start3A_145] : memref<16384x128xi32, #tpu.memory_space<hbm>> -> memref<128x128xi32, #tpu.memory_space<hbm>>
    %dma_start3A_147 = arith.constant 0 : i32
    %dma_start3A_148 = arith.constant 0 : i32
    %dma_start3A_149 = tpu.memref_slice %arg6[%dma_start3A_138, %dma_start3A_147, %dma_start3A_148] : memref<6x128x128xi32, #tpu.memory_space<vmem>> -> memref<1x128x128xi32, #tpu.memory_space<vmem>>
    %dma_start3A_150 = tpu.memref_squeeze %dma_start3A_149 : memref<1x128x128xi32, #tpu.memory_space<vmem>> -> memref<128x128xi32, #tpu.memory_space<vmem>>
    tpu.enqueue_dma source(%dma_start3A_150 : memref<128x128xi32, #tpu.memory_space<vmem>>) target(%dma_start3A_146 : memref<128x128xi32, #tpu.memory_space<hbm>>) target_semaphore(%arg16 : memref<!tpu.dma_semaphore, #tpu.memory_space<semaphore_mem>>)
    %dma_wait3A_151 = arith.constant 0 : i32
    %dma_wait3A_152 = arith.constant 0 : i32
    %dma_wait3A_153 = arith.constant 0 : i32
    %dma_wait3A_154 = tpu.memref_slice %arg6[%dma_wait3A_151, %dma_wait3A_152, %dma_wait3A_153] : memref<6x128x128xi32, #tpu.memory_space<vmem>> -> memref<1x128x128xi32, #tpu.memory_space<vmem>>
    %dma_wait3A_155 = tpu.memref_squeeze %dma_wait3A_154 : memref<1x128x128xi32, #tpu.memory_space<vmem>> -> memref<128x128xi32, #tpu.memory_space<vmem>>
    %dma_wait3A_156 = arith.constant 0 : i32
    %dma_wait3A_157 = tpu.memref_slice %arg4[%add3A_56, %dma_wait3A_156] : memref<16384x128xi32, #tpu.memory_space<hbm>> -> memref<128x128xi32, #tpu.memory_space<hbm>>
    %dma_wait3A_158 = arith.constant 0 : i32
    %dma_wait3A_159 = tpu.memref_slice %arg4[%add3A_56, %dma_wait3A_158] : memref<16384x128xi32, #tpu.memory_space<hbm>> -> memref<128x128xi32, #tpu.memory_space<hbm>>
    %dma_wait3A_160 = arith.constant 0 : i32
    %dma_wait3A_161 = arith.constant 0 : i32
    %dma_wait3A_162 = tpu.memref_slice %arg6[%dma_wait3A_151, %dma_wait3A_160, %dma_wait3A_161] : memref<6x128x128xi32, #tpu.memory_space<vmem>> -> memref<1x128x128xi32, #tpu.memory_space<vmem>>
    %dma_wait3A_163 = tpu.memref_squeeze %dma_wait3A_162 : memref<1x128x128xi32, #tpu.memory_space<vmem>> -> memref<128x128xi32, #tpu.memory_space<vmem>>
    tpu.wait_dma2 semaphore(%arg13 : memref<!tpu.dma_semaphore, #tpu.memory_space<semaphore_mem>>) src(%dma_wait3A_163 : memref<128x128xi32, #tpu.memory_space<vmem>>) dst(%dma_wait3A_159 : memref<128x128xi32, #tpu.memory_space<hbm>>)
    %dma_wait3A_164 = arith.constant 1 : i32
    %dma_wait3A_165 = arith.constant 0 : i32
    %dma_wait3A_166 = arith.constant 0 : i32
    %dma_wait3A_167 = tpu.memref_slice %arg6[%dma_wait3A_164, %dma_wait3A_165, %dma_wait3A_166] : memref<6x128x128xi32, #tpu.memory_space<vmem>> -> memref<1x128x128xi32, #tpu.memory_space<vmem>>
    %dma_wait3A_168 = tpu.memref_squeeze %dma_wait3A_167 : memref<1x128x128xi32, #tpu.memory_space<vmem>> -> memref<128x128xi32, #tpu.memory_space<vmem>>
    %dma_wait3A_169 = arith.constant 0 : i32
    %dma_wait3A_170 = tpu.memref_slice %arg4[%add3A_83, %dma_wait3A_169] : memref<16384x128xi32, #tpu.memory_space<hbm>> -> memref<128x128xi32, #tpu.memory_space<hbm>>
    %dma_wait3A_171 = arith.constant 0 : i32
    %dma_wait3A_172 = tpu.memref_slice %arg4[%add3A_83, %dma_wait3A_171] : memref<16384x128xi32, #tpu.memory_space<hbm>> -> memref<128x128xi32, #tpu.memory_space<hbm>>
    %dma_wait3A_173 = arith.constant 0 : i32
    %dma_wait3A_174 = arith.constant 0 : i32
    %dma_wait3A_175 = tpu.memref_slice %arg6[%dma_wait3A_164, %dma_wait3A_173, %dma_wait3A_174] : memref<6x128x128xi32, #tpu.memory_space<vmem>> -> memref<1x128x128xi32, #tpu.memory_space<vmem>>
    %dma_wait3A_176 = tpu.memref_squeeze %dma_wait3A_175 : memref<1x128x128xi32, #tpu.memory_space<vmem>> -> memref<128x128xi32, #tpu.memory_space<vmem>>
    tpu.wait_dma2 semaphore(%arg14 : memref<!tpu.dma_semaphore, #tpu.memory_space<semaphore_mem>>) src(%dma_wait3A_176 : memref<128x128xi32, #tpu.memory_space<vmem>>) dst(%dma_wait3A_172 : memref<128x128xi32, #tpu.memory_space<hbm>>)
    %dma_wait3A_177 = arith.constant 2 : i32
    %dma_wait3A_178 = arith.constant 0 : i32
    %dma_wait3A_179 = arith.constant 0 : i32
    %dma_wait3A_180 = tpu.memref_slice %arg6[%dma_wait3A_177, %dma_wait3A_178, %dma_wait3A_179] : memref<6x128x128xi32, #tpu.memory_space<vmem>> -> memref<1x128x128xi32, #tpu.memory_space<vmem>>
    %dma_wait3A_181 = tpu.memref_squeeze %dma_wait3A_180 : memref<1x128x128xi32, #tpu.memory_space<vmem>> -> memref<128x128xi32, #tpu.memory_space<vmem>>
    %dma_wait3A_182 = arith.constant 0 : i32
    %dma_wait3A_183 = tpu.memref_slice %arg4[%add3A_110, %dma_wait3A_182] : memref<16384x128xi32, #tpu.memory_space<hbm>> -> memref<128x128xi32, #tpu.memory_space<hbm>>
    %dma_wait3A_184 = arith.constant 0 : i32
    %dma_wait3A_185 = tpu.memref_slice %arg4[%add3A_110, %dma_wait3A_184] : memref<16384x128xi32, #tpu.memory_space<hbm>> -> memref<128x128xi32, #tpu.memory_space<hbm>>
    %dma_wait3A_186 = arith.constant 0 : i32
    %dma_wait3A_187 = arith.constant 0 : i32
    %dma_wait3A_188 = tpu.memref_slice %arg6[%dma_wait3A_177, %dma_wait3A_186, %dma_wait3A_187] : memref<6x128x128xi32, #tpu.memory_space<vmem>> -> memref<1x128x128xi32, #tpu.memory_space<vmem>>
    %dma_wait3A_189 = tpu.memref_squeeze %dma_wait3A_188 : memref<1x128x128xi32, #tpu.memory_space<vmem>> -> memref<128x128xi32, #tpu.memory_space<vmem>>
    tpu.wait_dma2 semaphore(%arg15 : memref<!tpu.dma_semaphore, #tpu.memory_space<semaphore_mem>>) src(%dma_wait3A_189 : memref<128x128xi32, #tpu.memory_space<vmem>>) dst(%dma_wait3A_185 : memref<128x128xi32, #tpu.memory_space<hbm>>)
    %dma_wait3A_190 = arith.constant 3 : i32
    %dma_wait3A_191 = arith.constant 0 : i32
    %dma_wait3A_192 = arith.constant 0 : i32
    %dma_wait3A_193 = tpu.memref_slice %arg6[%dma_wait3A_190, %dma_wait3A_191, %dma_wait3A_192] : memref<6x128x128xi32, #tpu.memory_space<vmem>> -> memref<1x128x128xi32, #tpu.memory_space<vmem>>
    %dma_wait3A_194 = tpu.memref_squeeze %dma_wait3A_193 : memref<1x128x128xi32, #tpu.memory_space<vmem>> -> memref<128x128xi32, #tpu.memory_space<vmem>>
    %dma_wait3A_195 = arith.constant 0 : i32
    %dma_wait3A_196 = tpu.memref_slice %arg4[%add3A_137, %dma_wait3A_195] : memref<16384x128xi32, #tpu.memory_space<hbm>> -> memref<128x128xi32, #tpu.memory_space<hbm>>
    %dma_wait3A_197 = arith.constant 0 : i32
    %dma_wait3A_198 = tpu.memref_slice %arg4[%add3A_137, %dma_wait3A_197] : memref<16384x128xi32, #tpu.memory_space<hbm>> -> memref<128x128xi32, #tpu.memory_space<hbm>>
    %dma_wait3A_199 = arith.constant 0 : i32
    %dma_wait3A_200 = arith.constant 0 : i32
    %dma_wait3A_201 = tpu.memref_slice %arg6[%dma_wait3A_190, %dma_wait3A_199, %dma_wait3A_200] : memref<6x128x128xi32, #tpu.memory_space<vmem>> -> memref<1x128x128xi32, #tpu.memory_space<vmem>>
    %dma_wait3A_202 = tpu.memref_squeeze %dma_wait3A_201 : memref<1x128x128xi32, #tpu.memory_space<vmem>> -> memref<128x128xi32, #tpu.memory_space<vmem>>
    tpu.wait_dma2 semaphore(%arg16 : memref<!tpu.dma_semaphore, #tpu.memory_space<semaphore_mem>>) src(%dma_wait3A_202 : memref<128x128xi32, #tpu.memory_space<vmem>>) dst(%dma_wait3A_198 : memref<128x128xi32, #tpu.memory_space<hbm>>)
    return
  }
}

#map = affine_map<(d0, d1) -> (0)>
#map1 = affine_map<(d0, d1) -> (0, 0)>
module attributes {stable_mosaic.version = 14 : i64} {
  func.func @gather(%arg0: i32, %arg1: i32, %arg2: memref<49152xi32, #tpu.memory_space<hbm>>, %arg3: memref<131072x128xi32, #tpu.memory_space<hbm>>, %arg4: memref<16384x128xi32, #tpu.memory_space<hbm>>, %arg5: memref<16384x128xi32, #tpu.memory_space<hbm>>, %arg6: memref<16384x128xi32, #tpu.memory_space<hbm>>, %arg7: memref<1536xi32, #tpu.memory_space<vmem>>, %arg8: memref<6x128x128xi32, #tpu.memory_space<vmem>>, %arg9: memref<!tpu.dma_semaphore, #tpu.memory_space<semaphore_mem>>, %arg10: memref<!tpu.dma_semaphore, #tpu.memory_space<semaphore_mem>>, %arg11: memref<!tpu.dma_semaphore, #tpu.memory_space<semaphore_mem>>, %arg12: memref<!tpu.dma_semaphore, #tpu.memory_space<semaphore_mem>>, %arg13: memref<!tpu.dma_semaphore, #tpu.memory_space<semaphore_mem>>, %arg14: memref<!tpu.dma_semaphore, #tpu.memory_space<semaphore_mem>>, %arg15: memref<!tpu.dma_semaphore, #tpu.memory_space<semaphore_mem>>, %arg16: memref<!tpu.dma_semaphore, #tpu.memory_space<semaphore_mem>>, %arg17: memref<!tpu.dma_semaphore, #tpu.memory_space<semaphore_mem>>, %arg18: memref<!tpu.dma_semaphore, #tpu.memory_space<semaphore_mem>>, %arg19: memref<!tpu.dma_semaphore, #tpu.memory_space<semaphore_mem>>, %arg20: memref<!tpu.dma_semaphore, #tpu.memory_space<semaphore_mem>>) attributes {dimension_semantics = [#tpu.dimension_semantics<core_parallel>, #tpu.dimension_semantics<subcore_parallel>], iteration_bounds = array<i64: 2, 16>, scalar_prefetch = 0 : i64, scratch_operands = 14 : i64, tpu.core_type = #tpu.core_type<sc_vector_subcore>, window_params = [{transform_indices = #map}, {transform_indices = #map1}, {transform_indices = #map1}, {transform_indices = #map1}, {transform_indices = #map1}]} {
    %mul3A = arith.constant 2 : i32
    %mul3A_0 = arith.muli %arg1, %mul3A : i32
    %add3A = arith.addi %mul3A_0, %arg0 : i32
    %mul3A_1 = arith.constant 512 : i32
    %mul3A_2 = arith.muli %add3A, %mul3A_1 : i32
    %add3A_3 = arith.constant 0 : i32
    %add3A_4 = arith.addi %add3A_3, %mul3A_2 : i32
    "tpu.region"() ({
      %run_scoped3A = tpu.sem_alloc : memref<!tpu.dma_semaphore, #tpu.memory_space<semaphore_mem>>
      %dma_start3A_611 = arith.constant 0 : i32
      %dma_start3A_612 = tpu.memref_slice %arg7[%dma_start3A_611] : memref<1536xi32, #tpu.memory_space<vmem>> -> memref<512xi32, #tpu.memory_space<vmem>>
      %dma_start3A_613 = tpu.memref_slice %arg2[%add3A_4] : memref<49152xi32, #tpu.memory_space<hbm>> -> memref<512xi32, #tpu.memory_space<hbm>>
      %dma_start3A_614 = arith.constant 0 : i32
      %dma_start3A_615 = tpu.memref_slice %arg7[%dma_start3A_614] : memref<1536xi32, #tpu.memory_space<vmem>> -> memref<512xi32, #tpu.memory_space<vmem>>
      %dma_start3A_616 = tpu.memref_slice %arg2[%add3A_4] : memref<49152xi32, #tpu.memory_space<hbm>> -> memref<512xi32, #tpu.memory_space<hbm>>
      tpu.enqueue_dma source(%dma_start3A_616 : memref<512xi32, #tpu.memory_space<hbm>>) target(%dma_start3A_615 : memref<512xi32, #tpu.memory_space<vmem>>) target_semaphore(%run_scoped3A : memref<!tpu.dma_semaphore, #tpu.memory_space<semaphore_mem>>)
      %dma_wait3A_617 = arith.constant 0 : i32
      %dma_wait3A_618 = tpu.memref_slice %arg7[%dma_wait3A_617] : memref<1536xi32, #tpu.memory_space<vmem>> -> memref<512xi32, #tpu.memory_space<vmem>>
      %dma_wait3A_619 = tpu.memref_slice %arg2[%add3A_4] : memref<49152xi32, #tpu.memory_space<hbm>> -> memref<512xi32, #tpu.memory_space<hbm>>
      %dma_wait3A_620 = arith.constant 0 : i32
      %dma_wait3A_621 = tpu.memref_slice %arg7[%dma_wait3A_620] : memref<1536xi32, #tpu.memory_space<vmem>> -> memref<512xi32, #tpu.memory_space<vmem>>
      %dma_wait3A_622 = tpu.memref_slice %arg2[%add3A_4] : memref<49152xi32, #tpu.memory_space<hbm>> -> memref<512xi32, #tpu.memory_space<hbm>>
      tpu.wait_dma2 semaphore(%run_scoped3A : memref<!tpu.dma_semaphore, #tpu.memory_space<semaphore_mem>>) src(%dma_wait3A_622 : memref<512xi32, #tpu.memory_space<hbm>>) dst(%dma_wait3A_621 : memref<512xi32, #tpu.memory_space<vmem>>)
      tpu.yield
    }) : () -> ()
    %mul3A_5 = arith.constant 512 : i32
    %mul3A_6 = arith.muli %add3A, %mul3A_5 : i32
    %add3A_7 = arith.constant 16384 : i32
    %add3A_8 = arith.addi %add3A_7, %mul3A_6 : i32
    "tpu.region"() ({
      %run_scoped3A = tpu.sem_alloc : memref<!tpu.dma_semaphore, #tpu.memory_space<semaphore_mem>>
      %dma_start3A_611 = arith.constant 512 : i32
      %dma_start3A_612 = tpu.memref_slice %arg7[%dma_start3A_611] : memref<1536xi32, #tpu.memory_space<vmem>> -> memref<512xi32, #tpu.memory_space<vmem>>
      %dma_start3A_613 = tpu.memref_slice %arg2[%add3A_8] : memref<49152xi32, #tpu.memory_space<hbm>> -> memref<512xi32, #tpu.memory_space<hbm>>
      %dma_start3A_614 = arith.constant 512 : i32
      %dma_start3A_615 = tpu.memref_slice %arg7[%dma_start3A_614] : memref<1536xi32, #tpu.memory_space<vmem>> -> memref<512xi32, #tpu.memory_space<vmem>>
      %dma_start3A_616 = tpu.memref_slice %arg2[%add3A_8] : memref<49152xi32, #tpu.memory_space<hbm>> -> memref<512xi32, #tpu.memory_space<hbm>>
      tpu.enqueue_dma source(%dma_start3A_616 : memref<512xi32, #tpu.memory_space<hbm>>) target(%dma_start3A_615 : memref<512xi32, #tpu.memory_space<vmem>>) target_semaphore(%run_scoped3A : memref<!tpu.dma_semaphore, #tpu.memory_space<semaphore_mem>>)
      %dma_wait3A_617 = arith.constant 512 : i32
      %dma_wait3A_618 = tpu.memref_slice %arg7[%dma_wait3A_617] : memref<1536xi32, #tpu.memory_space<vmem>> -> memref<512xi32, #tpu.memory_space<vmem>>
      %dma_wait3A_619 = tpu.memref_slice %arg2[%add3A_8] : memref<49152xi32, #tpu.memory_space<hbm>> -> memref<512xi32, #tpu.memory_space<hbm>>
      %dma_wait3A_620 = arith.constant 512 : i32
      %dma_wait3A_621 = tpu.memref_slice %arg7[%dma_wait3A_620] : memref<1536xi32, #tpu.memory_space<vmem>> -> memref<512xi32, #tpu.memory_space<vmem>>
      %dma_wait3A_622 = tpu.memref_slice %arg2[%add3A_8] : memref<49152xi32, #tpu.memory_space<hbm>> -> memref<512xi32, #tpu.memory_space<hbm>>
      tpu.wait_dma2 semaphore(%run_scoped3A : memref<!tpu.dma_semaphore, #tpu.memory_space<semaphore_mem>>) src(%dma_wait3A_622 : memref<512xi32, #tpu.memory_space<hbm>>) dst(%dma_wait3A_621 : memref<512xi32, #tpu.memory_space<vmem>>)
      tpu.yield
    }) : () -> ()
    %mul3A_9 = arith.constant 512 : i32
    %mul3A_10 = arith.muli %add3A, %mul3A_9 : i32
    %add3A_11 = arith.constant 32768 : i32
    %add3A_12 = arith.addi %add3A_11, %mul3A_10 : i32
    "tpu.region"() ({
      %run_scoped3A = tpu.sem_alloc : memref<!tpu.dma_semaphore, #tpu.memory_space<semaphore_mem>>
      %dma_start3A_611 = arith.constant 1024 : i32
      %dma_start3A_612 = tpu.memref_slice %arg7[%dma_start3A_611] : memref<1536xi32, #tpu.memory_space<vmem>> -> memref<512xi32, #tpu.memory_space<vmem>>
      %dma_start3A_613 = tpu.memref_slice %arg2[%add3A_12] : memref<49152xi32, #tpu.memory_space<hbm>> -> memref<512xi32, #tpu.memory_space<hbm>>
      %dma_start3A_614 = arith.constant 1024 : i32
      %dma_start3A_615 = tpu.memref_slice %arg7[%dma_start3A_614] : memref<1536xi32, #tpu.memory_space<vmem>> -> memref<512xi32, #tpu.memory_space<vmem>>
      %dma_start3A_616 = tpu.memref_slice %arg2[%add3A_12] : memref<49152xi32, #tpu.memory_space<hbm>> -> memref<512xi32, #tpu.memory_space<hbm>>
      tpu.enqueue_dma source(%dma_start3A_616 : memref<512xi32, #tpu.memory_space<hbm>>) target(%dma_start3A_615 : memref<512xi32, #tpu.memory_space<vmem>>) target_semaphore(%run_scoped3A : memref<!tpu.dma_semaphore, #tpu.memory_space<semaphore_mem>>)
      %dma_wait3A_617 = arith.constant 1024 : i32
      %dma_wait3A_618 = tpu.memref_slice %arg7[%dma_wait3A_617] : memref<1536xi32, #tpu.memory_space<vmem>> -> memref<512xi32, #tpu.memory_space<vmem>>
      %dma_wait3A_619 = tpu.memref_slice %arg2[%add3A_12] : memref<49152xi32, #tpu.memory_space<hbm>> -> memref<512xi32, #tpu.memory_space<hbm>>
      %dma_wait3A_620 = arith.constant 1024 : i32
      %dma_wait3A_621 = tpu.memref_slice %arg7[%dma_wait3A_620] : memref<1536xi32, #tpu.memory_space<vmem>> -> memref<512xi32, #tpu.memory_space<vmem>>
      %dma_wait3A_622 = tpu.memref_slice %arg2[%add3A_12] : memref<49152xi32, #tpu.memory_space<hbm>> -> memref<512xi32, #tpu.memory_space<hbm>>
      tpu.wait_dma2 semaphore(%run_scoped3A : memref<!tpu.dma_semaphore, #tpu.memory_space<semaphore_mem>>) src(%dma_wait3A_622 : memref<512xi32, #tpu.memory_space<hbm>>) dst(%dma_wait3A_621 : memref<512xi32, #tpu.memory_space<vmem>>)
      tpu.yield
    }) : () -> ()
    %dma_start3A = arith.constant 0 : i32
    %dma_start3A_13 = arith.constant 0 : i32
    %dma_start3A_14 = arith.constant 0 : i32
    %dma_start3A_15 = tpu.memref_slice %arg8[%dma_start3A, %dma_start3A_13, %dma_start3A_14] : memref<6x128x128xi32, #tpu.memory_space<vmem>> -> memref<1x128x128xi32, #tpu.memory_space<vmem>>
    %dma_start3A_16 = tpu.memref_squeeze %dma_start3A_15 : memref<1x128x128xi32, #tpu.memory_space<vmem>> -> memref<128x128xi32, #tpu.memory_space<vmem>>
    %dma_start3A_17 = arith.constant 0 : i32
    %dma_start3A_18 = tpu.memref_slice %arg7[%dma_start3A_17] : memref<1536xi32, #tpu.memory_space<vmem>> -> memref<128xi32, #tpu.memory_space<vmem>>
    %dma_start3A_19 = arith.constant 0 : i32
    %dma_start3A_20 = arith.constant 0 : i32
    %dma_start3A_21 = tpu.memref_slice %arg3[%dma_start3A_19, %dma_start3A_20] : memref<131072x128xi32, #tpu.memory_space<hbm>> -> memref<131072x128xi32, #tpu.memory_space<hbm>>
    tpu.enqueue_indirect_dma source(%dma_start3A_21 : memref<131072x128xi32, #tpu.memory_space<hbm>>) target(%dma_start3A_16 : memref<128x128xi32, #tpu.memory_space<vmem>>) offsets(%dma_start3A_18 : memref<128xi32, #tpu.memory_space<vmem>>) semaphore(%arg9 : memref<!tpu.dma_semaphore, #tpu.memory_space<semaphore_mem>>)
    %dma_start3A_22 = arith.constant 1 : i32
    %dma_start3A_23 = arith.constant 0 : i32
    %dma_start3A_24 = arith.constant 0 : i32
    %dma_start3A_25 = tpu.memref_slice %arg8[%dma_start3A_22, %dma_start3A_23, %dma_start3A_24] : memref<6x128x128xi32, #tpu.memory_space<vmem>> -> memref<1x128x128xi32, #tpu.memory_space<vmem>>
    %dma_start3A_26 = tpu.memref_squeeze %dma_start3A_25 : memref<1x128x128xi32, #tpu.memory_space<vmem>> -> memref<128x128xi32, #tpu.memory_space<vmem>>
    %dma_start3A_27 = arith.constant 128 : i32
    %dma_start3A_28 = tpu.memref_slice %arg7[%dma_start3A_27] : memref<1536xi32, #tpu.memory_space<vmem>> -> memref<128xi32, #tpu.memory_space<vmem>>
    %dma_start3A_29 = arith.constant 0 : i32
    %dma_start3A_30 = arith.constant 0 : i32
    %dma_start3A_31 = tpu.memref_slice %arg3[%dma_start3A_29, %dma_start3A_30] : memref<131072x128xi32, #tpu.memory_space<hbm>> -> memref<131072x128xi32, #tpu.memory_space<hbm>>
    tpu.enqueue_indirect_dma source(%dma_start3A_31 : memref<131072x128xi32, #tpu.memory_space<hbm>>) target(%dma_start3A_26 : memref<128x128xi32, #tpu.memory_space<vmem>>) offsets(%dma_start3A_28 : memref<128xi32, #tpu.memory_space<vmem>>) semaphore(%arg10 : memref<!tpu.dma_semaphore, #tpu.memory_space<semaphore_mem>>)
    %dma_start3A_32 = arith.constant 2 : i32
    %dma_start3A_33 = arith.constant 0 : i32
    %dma_start3A_34 = arith.constant 0 : i32
    %dma_start3A_35 = tpu.memref_slice %arg8[%dma_start3A_32, %dma_start3A_33, %dma_start3A_34] : memref<6x128x128xi32, #tpu.memory_space<vmem>> -> memref<1x128x128xi32, #tpu.memory_space<vmem>>
    %dma_start3A_36 = tpu.memref_squeeze %dma_start3A_35 : memref<1x128x128xi32, #tpu.memory_space<vmem>> -> memref<128x128xi32, #tpu.memory_space<vmem>>
    %dma_start3A_37 = arith.constant 256 : i32
    %dma_start3A_38 = tpu.memref_slice %arg7[%dma_start3A_37] : memref<1536xi32, #tpu.memory_space<vmem>> -> memref<128xi32, #tpu.memory_space<vmem>>
    %dma_start3A_39 = arith.constant 0 : i32
    %dma_start3A_40 = arith.constant 0 : i32
    %dma_start3A_41 = tpu.memref_slice %arg3[%dma_start3A_39, %dma_start3A_40] : memref<131072x128xi32, #tpu.memory_space<hbm>> -> memref<131072x128xi32, #tpu.memory_space<hbm>>
    tpu.enqueue_indirect_dma source(%dma_start3A_41 : memref<131072x128xi32, #tpu.memory_space<hbm>>) target(%dma_start3A_36 : memref<128x128xi32, #tpu.memory_space<vmem>>) offsets(%dma_start3A_38 : memref<128xi32, #tpu.memory_space<vmem>>) semaphore(%arg11 : memref<!tpu.dma_semaphore, #tpu.memory_space<semaphore_mem>>)
    %dma_start3A_42 = arith.constant 3 : i32
    %dma_start3A_43 = arith.constant 0 : i32
    %dma_start3A_44 = arith.constant 0 : i32
    %dma_start3A_45 = tpu.memref_slice %arg8[%dma_start3A_42, %dma_start3A_43, %dma_start3A_44] : memref<6x128x128xi32, #tpu.memory_space<vmem>> -> memref<1x128x128xi32, #tpu.memory_space<vmem>>
    %dma_start3A_46 = tpu.memref_squeeze %dma_start3A_45 : memref<1x128x128xi32, #tpu.memory_space<vmem>> -> memref<128x128xi32, #tpu.memory_space<vmem>>
    %dma_start3A_47 = arith.constant 384 : i32
    %dma_start3A_48 = tpu.memref_slice %arg7[%dma_start3A_47] : memref<1536xi32, #tpu.memory_space<vmem>> -> memref<128xi32, #tpu.memory_space<vmem>>
    %dma_start3A_49 = arith.constant 0 : i32
    %dma_start3A_50 = arith.constant 0 : i32
    %dma_start3A_51 = tpu.memref_slice %arg3[%dma_start3A_49, %dma_start3A_50] : memref<131072x128xi32, #tpu.memory_space<hbm>> -> memref<131072x128xi32, #tpu.memory_space<hbm>>
    tpu.enqueue_indirect_dma source(%dma_start3A_51 : memref<131072x128xi32, #tpu.memory_space<hbm>>) target(%dma_start3A_46 : memref<128x128xi32, #tpu.memory_space<vmem>>) offsets(%dma_start3A_48 : memref<128xi32, #tpu.memory_space<vmem>>) semaphore(%arg12 : memref<!tpu.dma_semaphore, #tpu.memory_space<semaphore_mem>>)
    %dma_start3A_52 = arith.constant 4 : i32
    %dma_start3A_53 = arith.constant 0 : i32
    %dma_start3A_54 = arith.constant 0 : i32
    %dma_start3A_55 = tpu.memref_slice %arg8[%dma_start3A_52, %dma_start3A_53, %dma_start3A_54] : memref<6x128x128xi32, #tpu.memory_space<vmem>> -> memref<1x128x128xi32, #tpu.memory_space<vmem>>
    %dma_start3A_56 = tpu.memref_squeeze %dma_start3A_55 : memref<1x128x128xi32, #tpu.memory_space<vmem>> -> memref<128x128xi32, #tpu.memory_space<vmem>>
    %dma_start3A_57 = arith.constant 512 : i32
    %dma_start3A_58 = tpu.memref_slice %arg7[%dma_start3A_57] : memref<1536xi32, #tpu.memory_space<vmem>> -> memref<128xi32, #tpu.memory_space<vmem>>
    %dma_start3A_59 = arith.constant 0 : i32
    %dma_start3A_60 = arith.constant 0 : i32
    %dma_start3A_61 = tpu.memref_slice %arg3[%dma_start3A_59, %dma_start3A_60] : memref<131072x128xi32, #tpu.memory_space<hbm>> -> memref<131072x128xi32, #tpu.memory_space<hbm>>
    tpu.enqueue_indirect_dma source(%dma_start3A_61 : memref<131072x128xi32, #tpu.memory_space<hbm>>) target(%dma_start3A_56 : memref<128x128xi32, #tpu.memory_space<vmem>>) offsets(%dma_start3A_58 : memref<128xi32, #tpu.memory_space<vmem>>) semaphore(%arg13 : memref<!tpu.dma_semaphore, #tpu.memory_space<semaphore_mem>>)
    %dma_start3A_62 = arith.constant 5 : i32
    %dma_start3A_63 = arith.constant 0 : i32
    %dma_start3A_64 = arith.constant 0 : i32
    %dma_start3A_65 = tpu.memref_slice %arg8[%dma_start3A_62, %dma_start3A_63, %dma_start3A_64] : memref<6x128x128xi32, #tpu.memory_space<vmem>> -> memref<1x128x128xi32, #tpu.memory_space<vmem>>
    %dma_start3A_66 = tpu.memref_squeeze %dma_start3A_65 : memref<1x128x128xi32, #tpu.memory_space<vmem>> -> memref<128x128xi32, #tpu.memory_space<vmem>>
    %dma_start3A_67 = arith.constant 640 : i32
    %dma_start3A_68 = tpu.memref_slice %arg7[%dma_start3A_67] : memref<1536xi32, #tpu.memory_space<vmem>> -> memref<128xi32, #tpu.memory_space<vmem>>
    %dma_start3A_69 = arith.constant 0 : i32
    %dma_start3A_70 = arith.constant 0 : i32
    %dma_start3A_71 = tpu.memref_slice %arg3[%dma_start3A_69, %dma_start3A_70] : memref<131072x128xi32, #tpu.memory_space<hbm>> -> memref<131072x128xi32, #tpu.memory_space<hbm>>
    tpu.enqueue_indirect_dma source(%dma_start3A_71 : memref<131072x128xi32, #tpu.memory_space<hbm>>) target(%dma_start3A_66 : memref<128x128xi32, #tpu.memory_space<vmem>>) offsets(%dma_start3A_68 : memref<128xi32, #tpu.memory_space<vmem>>) semaphore(%arg14 : memref<!tpu.dma_semaphore, #tpu.memory_space<semaphore_mem>>)
    %dma_wait3A = arith.constant 0 : i32
    %dma_wait3A_72 = arith.constant 0 : i32
    %dma_wait3A_73 = arith.constant 0 : i32
    %dma_wait3A_74 = tpu.memref_slice %arg8[%dma_wait3A, %dma_wait3A_72, %dma_wait3A_73] : memref<6x128x128xi32, #tpu.memory_space<vmem>> -> memref<1x128x128xi32, #tpu.memory_space<vmem>>
    %dma_wait3A_75 = tpu.memref_squeeze %dma_wait3A_74 : memref<1x128x128xi32, #tpu.memory_space<vmem>> -> memref<128x128xi32, #tpu.memory_space<vmem>>
    %dma_wait3A_76 = arith.constant 0 : i32
    %dma_wait3A_77 = tpu.memref_slice %arg7[%dma_wait3A_76] : memref<1536xi32, #tpu.memory_space<vmem>> -> memref<128xi32, #tpu.memory_space<vmem>>
    %dma_wait3A_78 = arith.constant 0 : i32
    %dma_wait3A_79 = arith.constant 0 : i32
    %dma_wait3A_80 = tpu.memref_slice %arg3[%dma_wait3A_78, %dma_wait3A_79] : memref<131072x128xi32, #tpu.memory_space<hbm>> -> memref<131072x128xi32, #tpu.memory_space<hbm>>
    tpu.wait_indirect_dma semaphore(%arg9 : memref<!tpu.dma_semaphore, #tpu.memory_space<semaphore_mem>>) src(%dma_wait3A_80 : memref<131072x128xi32, #tpu.memory_space<hbm>>) dst(%dma_wait3A_75 : memref<128x128xi32, #tpu.memory_space<vmem>>)
    %mul3A_81 = arith.constant 512 : i32
    %mul3A_82 = arith.muli %add3A, %mul3A_81 : i32
    %add3A_83 = arith.constant 0 : i32
    %add3A_84 = arith.addi %mul3A_82, %add3A_83 : i32
    %dma_start3A_85 = arith.constant 0 : i32
    %dma_start3A_86 = arith.constant 0 : i32
    %dma_start3A_87 = arith.constant 0 : i32
    %dma_start3A_88 = tpu.memref_slice %arg8[%dma_start3A_85, %dma_start3A_86, %dma_start3A_87] : memref<6x128x128xi32, #tpu.memory_space<vmem>> -> memref<1x128x128xi32, #tpu.memory_space<vmem>>
    %dma_start3A_89 = tpu.memref_squeeze %dma_start3A_88 : memref<1x128x128xi32, #tpu.memory_space<vmem>> -> memref<128x128xi32, #tpu.memory_space<vmem>>
    %dma_start3A_90 = arith.constant 0 : i32
    %dma_start3A_91 = tpu.memref_slice %arg4[%add3A_84, %dma_start3A_90] : memref<16384x128xi32, #tpu.memory_space<hbm>> -> memref<128x128xi32, #tpu.memory_space<hbm>>
    %dma_start3A_92 = arith.constant 0 : i32
    %dma_start3A_93 = tpu.memref_slice %arg4[%add3A_84, %dma_start3A_92] : memref<16384x128xi32, #tpu.memory_space<hbm>> -> memref<128x128xi32, #tpu.memory_space<hbm>>
    %dma_start3A_94 = arith.constant 0 : i32
    %dma_start3A_95 = arith.constant 0 : i32
    %dma_start3A_96 = tpu.memref_slice %arg8[%dma_start3A_85, %dma_start3A_94, %dma_start3A_95] : memref<6x128x128xi32, #tpu.memory_space<vmem>> -> memref<1x128x128xi32, #tpu.memory_space<vmem>>
    %dma_start3A_97 = tpu.memref_squeeze %dma_start3A_96 : memref<1x128x128xi32, #tpu.memory_space<vmem>> -> memref<128x128xi32, #tpu.memory_space<vmem>>
    tpu.enqueue_dma source(%dma_start3A_97 : memref<128x128xi32, #tpu.memory_space<vmem>>) target(%dma_start3A_93 : memref<128x128xi32, #tpu.memory_space<hbm>>) target_semaphore(%arg15 : memref<!tpu.dma_semaphore, #tpu.memory_space<semaphore_mem>>)
    %dma_wait3A_98 = arith.constant 0 : i32
    %dma_wait3A_99 = arith.constant 0 : i32
    %dma_wait3A_100 = arith.constant 0 : i32
    %dma_wait3A_101 = tpu.memref_slice %arg8[%dma_wait3A_98, %dma_wait3A_99, %dma_wait3A_100] : memref<6x128x128xi32, #tpu.memory_space<vmem>> -> memref<1x128x128xi32, #tpu.memory_space<vmem>>
    %dma_wait3A_102 = tpu.memref_squeeze %dma_wait3A_101 : memref<1x128x128xi32, #tpu.memory_space<vmem>> -> memref<128x128xi32, #tpu.memory_space<vmem>>
    %dma_wait3A_103 = arith.constant 0 : i32
    %dma_wait3A_104 = tpu.memref_slice %arg4[%add3A_84, %dma_wait3A_103] : memref<16384x128xi32, #tpu.memory_space<hbm>> -> memref<128x128xi32, #tpu.memory_space<hbm>>
    %dma_wait3A_105 = arith.constant 0 : i32
    %dma_wait3A_106 = tpu.memref_slice %arg4[%add3A_84, %dma_wait3A_105] : memref<16384x128xi32, #tpu.memory_space<hbm>> -> memref<128x128xi32, #tpu.memory_space<hbm>>
    %dma_wait3A_107 = arith.constant 0 : i32
    %dma_wait3A_108 = arith.constant 0 : i32
    %dma_wait3A_109 = tpu.memref_slice %arg8[%dma_wait3A_98, %dma_wait3A_107, %dma_wait3A_108] : memref<6x128x128xi32, #tpu.memory_space<vmem>> -> memref<1x128x128xi32, #tpu.memory_space<vmem>>
    %dma_wait3A_110 = tpu.memref_squeeze %dma_wait3A_109 : memref<1x128x128xi32, #tpu.memory_space<vmem>> -> memref<128x128xi32, #tpu.memory_space<vmem>>
    tpu.wait_dma2 semaphore(%arg15 : memref<!tpu.dma_semaphore, #tpu.memory_space<semaphore_mem>>) src(%dma_wait3A_110 : memref<128x128xi32, #tpu.memory_space<vmem>>) dst(%dma_wait3A_106 : memref<128x128xi32, #tpu.memory_space<hbm>>)
    %dma_start3A_111 = arith.constant 0 : i32
    %dma_start3A_112 = arith.constant 0 : i32
    %dma_start3A_113 = arith.constant 0 : i32
    %dma_start3A_114 = tpu.memref_slice %arg8[%dma_start3A_111, %dma_start3A_112, %dma_start3A_113] : memref<6x128x128xi32, #tpu.memory_space<vmem>> -> memref<1x128x128xi32, #tpu.memory_space<vmem>>
    %dma_start3A_115 = tpu.memref_squeeze %dma_start3A_114 : memref<1x128x128xi32, #tpu.memory_space<vmem>> -> memref<128x128xi32, #tpu.memory_space<vmem>>
    %dma_start3A_116 = arith.constant 768 : i32
    %dma_start3A_117 = tpu.memref_slice %arg7[%dma_start3A_116] : memref<1536xi32, #tpu.memory_space<vmem>> -> memref<128xi32, #tpu.memory_space<vmem>>
    %dma_start3A_118 = arith.constant 0 : i32
    %dma_start3A_119 = arith.constant 0 : i32
    %dma_start3A_120 = tpu.memref_slice %arg3[%dma_start3A_118, %dma_start3A_119] : memref<131072x128xi32, #tpu.memory_space<hbm>> -> memref<131072x128xi32, #tpu.memory_space<hbm>>
    tpu.enqueue_indirect_dma source(%dma_start3A_120 : memref<131072x128xi32, #tpu.memory_space<hbm>>) target(%dma_start3A_115 : memref<128x128xi32, #tpu.memory_space<vmem>>) offsets(%dma_start3A_117 : memref<128xi32, #tpu.memory_space<vmem>>) semaphore(%arg9 : memref<!tpu.dma_semaphore, #tpu.memory_space<semaphore_mem>>)
    %dma_wait3A_121 = arith.constant 1 : i32
    %dma_wait3A_122 = arith.constant 0 : i32
    %dma_wait3A_123 = arith.constant 0 : i32
    %dma_wait3A_124 = tpu.memref_slice %arg8[%dma_wait3A_121, %dma_wait3A_122, %dma_wait3A_123] : memref<6x128x128xi32, #tpu.memory_space<vmem>> -> memref<1x128x128xi32, #tpu.memory_space<vmem>>
    %dma_wait3A_125 = tpu.memref_squeeze %dma_wait3A_124 : memref<1x128x128xi32, #tpu.memory_space<vmem>> -> memref<128x128xi32, #tpu.memory_space<vmem>>
    %dma_wait3A_126 = arith.constant 128 : i32
    %dma_wait3A_127 = tpu.memref_slice %arg7[%dma_wait3A_126] : memref<1536xi32, #tpu.memory_space<vmem>> -> memref<128xi32, #tpu.memory_space<vmem>>
    %dma_wait3A_128 = arith.constant 0 : i32
    %dma_wait3A_129 = arith.constant 0 : i32
    %dma_wait3A_130 = tpu.memref_slice %arg3[%dma_wait3A_128, %dma_wait3A_129] : memref<131072x128xi32, #tpu.memory_space<hbm>> -> memref<131072x128xi32, #tpu.memory_space<hbm>>
    tpu.wait_indirect_dma semaphore(%arg10 : memref<!tpu.dma_semaphore, #tpu.memory_space<semaphore_mem>>) src(%dma_wait3A_130 : memref<131072x128xi32, #tpu.memory_space<hbm>>) dst(%dma_wait3A_125 : memref<128x128xi32, #tpu.memory_space<vmem>>)
    %mul3A_131 = arith.constant 512 : i32
    %mul3A_132 = arith.muli %add3A, %mul3A_131 : i32
    %add3A_133 = arith.constant 128 : i32
    %add3A_134 = arith.addi %mul3A_132, %add3A_133 : i32
    %dma_start3A_135 = arith.constant 1 : i32
    %dma_start3A_136 = arith.constant 0 : i32
    %dma_start3A_137 = arith.constant 0 : i32
    %dma_start3A_138 = tpu.memref_slice %arg8[%dma_start3A_135, %dma_start3A_136, %dma_start3A_137] : memref<6x128x128xi32, #tpu.memory_space<vmem>> -> memref<1x128x128xi32, #tpu.memory_space<vmem>>
    %dma_start3A_139 = tpu.memref_squeeze %dma_start3A_138 : memref<1x128x128xi32, #tpu.memory_space<vmem>> -> memref<128x128xi32, #tpu.memory_space<vmem>>
    %dma_start3A_140 = arith.constant 0 : i32
    %dma_start3A_141 = tpu.memref_slice %arg4[%add3A_134, %dma_start3A_140] : memref<16384x128xi32, #tpu.memory_space<hbm>> -> memref<128x128xi32, #tpu.memory_space<hbm>>
    %dma_start3A_142 = arith.constant 0 : i32
    %dma_start3A_143 = tpu.memref_slice %arg4[%add3A_134, %dma_start3A_142] : memref<16384x128xi32, #tpu.memory_space<hbm>> -> memref<128x128xi32, #tpu.memory_space<hbm>>
    %dma_start3A_144 = arith.constant 0 : i32
    %dma_start3A_145 = arith.constant 0 : i32
    %dma_start3A_146 = tpu.memref_slice %arg8[%dma_start3A_135, %dma_start3A_144, %dma_start3A_145] : memref<6x128x128xi32, #tpu.memory_space<vmem>> -> memref<1x128x128xi32, #tpu.memory_space<vmem>>
    %dma_start3A_147 = tpu.memref_squeeze %dma_start3A_146 : memref<1x128x128xi32, #tpu.memory_space<vmem>> -> memref<128x128xi32, #tpu.memory_space<vmem>>
    tpu.enqueue_dma source(%dma_start3A_147 : memref<128x128xi32, #tpu.memory_space<vmem>>) target(%dma_start3A_143 : memref<128x128xi32, #tpu.memory_space<hbm>>) target_semaphore(%arg16 : memref<!tpu.dma_semaphore, #tpu.memory_space<semaphore_mem>>)
    %dma_wait3A_148 = arith.constant 1 : i32
    %dma_wait3A_149 = arith.constant 0 : i32
    %dma_wait3A_150 = arith.constant 0 : i32
    %dma_wait3A_151 = tpu.memref_slice %arg8[%dma_wait3A_148, %dma_wait3A_149, %dma_wait3A_150] : memref<6x128x128xi32, #tpu.memory_space<vmem>> -> memref<1x128x128xi32, #tpu.memory_space<vmem>>
    %dma_wait3A_152 = tpu.memref_squeeze %dma_wait3A_151 : memref<1x128x128xi32, #tpu.memory_space<vmem>> -> memref<128x128xi32, #tpu.memory_space<vmem>>
    %dma_wait3A_153 = arith.constant 0 : i32
    %dma_wait3A_154 = tpu.memref_slice %arg4[%add3A_134, %dma_wait3A_153] : memref<16384x128xi32, #tpu.memory_space<hbm>> -> memref<128x128xi32, #tpu.memory_space<hbm>>
    %dma_wait3A_155 = arith.constant 0 : i32
    %dma_wait3A_156 = tpu.memref_slice %arg4[%add3A_134, %dma_wait3A_155] : memref<16384x128xi32, #tpu.memory_space<hbm>> -> memref<128x128xi32, #tpu.memory_space<hbm>>
    %dma_wait3A_157 = arith.constant 0 : i32
    %dma_wait3A_158 = arith.constant 0 : i32
    %dma_wait3A_159 = tpu.memref_slice %arg8[%dma_wait3A_148, %dma_wait3A_157, %dma_wait3A_158] : memref<6x128x128xi32, #tpu.memory_space<vmem>> -> memref<1x128x128xi32, #tpu.memory_space<vmem>>
    %dma_wait3A_160 = tpu.memref_squeeze %dma_wait3A_159 : memref<1x128x128xi32, #tpu.memory_space<vmem>> -> memref<128x128xi32, #tpu.memory_space<vmem>>
    tpu.wait_dma2 semaphore(%arg16 : memref<!tpu.dma_semaphore, #tpu.memory_space<semaphore_mem>>) src(%dma_wait3A_160 : memref<128x128xi32, #tpu.memory_space<vmem>>) dst(%dma_wait3A_156 : memref<128x128xi32, #tpu.memory_space<hbm>>)
    %dma_start3A_161 = arith.constant 1 : i32
    %dma_start3A_162 = arith.constant 0 : i32
    %dma_start3A_163 = arith.constant 0 : i32
    %dma_start3A_164 = tpu.memref_slice %arg8[%dma_start3A_161, %dma_start3A_162, %dma_start3A_163] : memref<6x128x128xi32, #tpu.memory_space<vmem>> -> memref<1x128x128xi32, #tpu.memory_space<vmem>>
    %dma_start3A_165 = tpu.memref_squeeze %dma_start3A_164 : memref<1x128x128xi32, #tpu.memory_space<vmem>> -> memref<128x128xi32, #tpu.memory_space<vmem>>
    %dma_start3A_166 = arith.constant 896 : i32
    %dma_start3A_167 = tpu.memref_slice %arg7[%dma_start3A_166] : memref<1536xi32, #tpu.memory_space<vmem>> -> memref<128xi32, #tpu.memory_space<vmem>>
    %dma_start3A_168 = arith.constant 0 : i32
    %dma_start3A_169 = arith.constant 0 : i32
    %dma_start3A_170 = tpu.memref_slice %arg3[%dma_start3A_168, %dma_start3A_169] : memref<131072x128xi32, #tpu.memory_space<hbm>> -> memref<131072x128xi32, #tpu.memory_space<hbm>>
    tpu.enqueue_indirect_dma source(%dma_start3A_170 : memref<131072x128xi32, #tpu.memory_space<hbm>>) target(%dma_start3A_165 : memref<128x128xi32, #tpu.memory_space<vmem>>) offsets(%dma_start3A_167 : memref<128xi32, #tpu.memory_space<vmem>>) semaphore(%arg10 : memref<!tpu.dma_semaphore, #tpu.memory_space<semaphore_mem>>)
    %dma_wait3A_171 = arith.constant 2 : i32
    %dma_wait3A_172 = arith.constant 0 : i32
    %dma_wait3A_173 = arith.constant 0 : i32
    %dma_wait3A_174 = tpu.memref_slice %arg8[%dma_wait3A_171, %dma_wait3A_172, %dma_wait3A_173] : memref<6x128x128xi32, #tpu.memory_space<vmem>> -> memref<1x128x128xi32, #tpu.memory_space<vmem>>
    %dma_wait3A_175 = tpu.memref_squeeze %dma_wait3A_174 : memref<1x128x128xi32, #tpu.memory_space<vmem>> -> memref<128x128xi32, #tpu.memory_space<vmem>>
    %dma_wait3A_176 = arith.constant 256 : i32
    %dma_wait3A_177 = tpu.memref_slice %arg7[%dma_wait3A_176] : memref<1536xi32, #tpu.memory_space<vmem>> -> memref<128xi32, #tpu.memory_space<vmem>>
    %dma_wait3A_178 = arith.constant 0 : i32
    %dma_wait3A_179 = arith.constant 0 : i32
    %dma_wait3A_180 = tpu.memref_slice %arg3[%dma_wait3A_178, %dma_wait3A_179] : memref<131072x128xi32, #tpu.memory_space<hbm>> -> memref<131072x128xi32, #tpu.memory_space<hbm>>
    tpu.wait_indirect_dma semaphore(%arg11 : memref<!tpu.dma_semaphore, #tpu.memory_space<semaphore_mem>>) src(%dma_wait3A_180 : memref<131072x128xi32, #tpu.memory_space<hbm>>) dst(%dma_wait3A_175 : memref<128x128xi32, #tpu.memory_space<vmem>>)
    %mul3A_181 = arith.constant 512 : i32
    %mul3A_182 = arith.muli %add3A, %mul3A_181 : i32
    %add3A_183 = arith.constant 256 : i32
    %add3A_184 = arith.addi %mul3A_182, %add3A_183 : i32
    %dma_start3A_185 = arith.constant 2 : i32
    %dma_start3A_186 = arith.constant 0 : i32
    %dma_start3A_187 = arith.constant 0 : i32
    %dma_start3A_188 = tpu.memref_slice %arg8[%dma_start3A_185, %dma_start3A_186, %dma_start3A_187] : memref<6x128x128xi32, #tpu.memory_space<vmem>> -> memref<1x128x128xi32, #tpu.memory_space<vmem>>
    %dma_start3A_189 = tpu.memref_squeeze %dma_start3A_188 : memref<1x128x128xi32, #tpu.memory_space<vmem>> -> memref<128x128xi32, #tpu.memory_space<vmem>>
    %dma_start3A_190 = arith.constant 0 : i32
    %dma_start3A_191 = tpu.memref_slice %arg4[%add3A_184, %dma_start3A_190] : memref<16384x128xi32, #tpu.memory_space<hbm>> -> memref<128x128xi32, #tpu.memory_space<hbm>>
    %dma_start3A_192 = arith.constant 0 : i32
    %dma_start3A_193 = tpu.memref_slice %arg4[%add3A_184, %dma_start3A_192] : memref<16384x128xi32, #tpu.memory_space<hbm>> -> memref<128x128xi32, #tpu.memory_space<hbm>>
    %dma_start3A_194 = arith.constant 0 : i32
    %dma_start3A_195 = arith.constant 0 : i32
    %dma_start3A_196 = tpu.memref_slice %arg8[%dma_start3A_185, %dma_start3A_194, %dma_start3A_195] : memref<6x128x128xi32, #tpu.memory_space<vmem>> -> memref<1x128x128xi32, #tpu.memory_space<vmem>>
    %dma_start3A_197 = tpu.memref_squeeze %dma_start3A_196 : memref<1x128x128xi32, #tpu.memory_space<vmem>> -> memref<128x128xi32, #tpu.memory_space<vmem>>
    tpu.enqueue_dma source(%dma_start3A_197 : memref<128x128xi32, #tpu.memory_space<vmem>>) target(%dma_start3A_193 : memref<128x128xi32, #tpu.memory_space<hbm>>) target_semaphore(%arg17 : memref<!tpu.dma_semaphore, #tpu.memory_space<semaphore_mem>>)
    %dma_wait3A_198 = arith.constant 2 : i32
    %dma_wait3A_199 = arith.constant 0 : i32
    %dma_wait3A_200 = arith.constant 0 : i32
    %dma_wait3A_201 = tpu.memref_slice %arg8[%dma_wait3A_198, %dma_wait3A_199, %dma_wait3A_200] : memref<6x128x128xi32, #tpu.memory_space<vmem>> -> memref<1x128x128xi32, #tpu.memory_space<vmem>>
    %dma_wait3A_202 = tpu.memref_squeeze %dma_wait3A_201 : memref<1x128x128xi32, #tpu.memory_space<vmem>> -> memref<128x128xi32, #tpu.memory_space<vmem>>
    %dma_wait3A_203 = arith.constant 0 : i32
    %dma_wait3A_204 = tpu.memref_slice %arg4[%add3A_184, %dma_wait3A_203] : memref<16384x128xi32, #tpu.memory_space<hbm>> -> memref<128x128xi32, #tpu.memory_space<hbm>>
    %dma_wait3A_205 = arith.constant 0 : i32
    %dma_wait3A_206 = tpu.memref_slice %arg4[%add3A_184, %dma_wait3A_205] : memref<16384x128xi32, #tpu.memory_space<hbm>> -> memref<128x128xi32, #tpu.memory_space<hbm>>
    %dma_wait3A_207 = arith.constant 0 : i32
    %dma_wait3A_208 = arith.constant 0 : i32
    %dma_wait3A_209 = tpu.memref_slice %arg8[%dma_wait3A_198, %dma_wait3A_207, %dma_wait3A_208] : memref<6x128x128xi32, #tpu.memory_space<vmem>> -> memref<1x128x128xi32, #tpu.memory_space<vmem>>
    %dma_wait3A_210 = tpu.memref_squeeze %dma_wait3A_209 : memref<1x128x128xi32, #tpu.memory_space<vmem>> -> memref<128x128xi32, #tpu.memory_space<vmem>>
    tpu.wait_dma2 semaphore(%arg17 : memref<!tpu.dma_semaphore, #tpu.memory_space<semaphore_mem>>) src(%dma_wait3A_210 : memref<128x128xi32, #tpu.memory_space<vmem>>) dst(%dma_wait3A_206 : memref<128x128xi32, #tpu.memory_space<hbm>>)
    %dma_start3A_211 = arith.constant 2 : i32
    %dma_start3A_212 = arith.constant 0 : i32
    %dma_start3A_213 = arith.constant 0 : i32
    %dma_start3A_214 = tpu.memref_slice %arg8[%dma_start3A_211, %dma_start3A_212, %dma_start3A_213] : memref<6x128x128xi32, #tpu.memory_space<vmem>> -> memref<1x128x128xi32, #tpu.memory_space<vmem>>
    %dma_start3A_215 = tpu.memref_squeeze %dma_start3A_214 : memref<1x128x128xi32, #tpu.memory_space<vmem>> -> memref<128x128xi32, #tpu.memory_space<vmem>>
    %dma_start3A_216 = arith.constant 1024 : i32
    %dma_start3A_217 = tpu.memref_slice %arg7[%dma_start3A_216] : memref<1536xi32, #tpu.memory_space<vmem>> -> memref<128xi32, #tpu.memory_space<vmem>>
    %dma_start3A_218 = arith.constant 0 : i32
    %dma_start3A_219 = arith.constant 0 : i32
    %dma_start3A_220 = tpu.memref_slice %arg3[%dma_start3A_218, %dma_start3A_219] : memref<131072x128xi32, #tpu.memory_space<hbm>> -> memref<131072x128xi32, #tpu.memory_space<hbm>>
    tpu.enqueue_indirect_dma source(%dma_start3A_220 : memref<131072x128xi32, #tpu.memory_space<hbm>>) target(%dma_start3A_215 : memref<128x128xi32, #tpu.memory_space<vmem>>) offsets(%dma_start3A_217 : memref<128xi32, #tpu.memory_space<vmem>>) semaphore(%arg11 : memref<!tpu.dma_semaphore, #tpu.memory_space<semaphore_mem>>)
    %dma_wait3A_221 = arith.constant 3 : i32
    %dma_wait3A_222 = arith.constant 0 : i32
    %dma_wait3A_223 = arith.constant 0 : i32
    %dma_wait3A_224 = tpu.memref_slice %arg8[%dma_wait3A_221, %dma_wait3A_222, %dma_wait3A_223] : memref<6x128x128xi32, #tpu.memory_space<vmem>> -> memref<1x128x128xi32, #tpu.memory_space<vmem>>
    %dma_wait3A_225 = tpu.memref_squeeze %dma_wait3A_224 : memref<1x128x128xi32, #tpu.memory_space<vmem>> -> memref<128x128xi32, #tpu.memory_space<vmem>>
    %dma_wait3A_226 = arith.constant 384 : i32
    %dma_wait3A_227 = tpu.memref_slice %arg7[%dma_wait3A_226] : memref<1536xi32, #tpu.memory_space<vmem>> -> memref<128xi32, #tpu.memory_space<vmem>>
    %dma_wait3A_228 = arith.constant 0 : i32
    %dma_wait3A_229 = arith.constant 0 : i32
    %dma_wait3A_230 = tpu.memref_slice %arg3[%dma_wait3A_228, %dma_wait3A_229] : memref<131072x128xi32, #tpu.memory_space<hbm>> -> memref<131072x128xi32, #tpu.memory_space<hbm>>
    tpu.wait_indirect_dma semaphore(%arg12 : memref<!tpu.dma_semaphore, #tpu.memory_space<semaphore_mem>>) src(%dma_wait3A_230 : memref<131072x128xi32, #tpu.memory_space<hbm>>) dst(%dma_wait3A_225 : memref<128x128xi32, #tpu.memory_space<vmem>>)
    %mul3A_231 = arith.constant 512 : i32
    %mul3A_232 = arith.muli %add3A, %mul3A_231 : i32
    %add3A_233 = arith.constant 384 : i32
    %add3A_234 = arith.addi %mul3A_232, %add3A_233 : i32
    %dma_start3A_235 = arith.constant 3 : i32
    %dma_start3A_236 = arith.constant 0 : i32
    %dma_start3A_237 = arith.constant 0 : i32
    %dma_start3A_238 = tpu.memref_slice %arg8[%dma_start3A_235, %dma_start3A_236, %dma_start3A_237] : memref<6x128x128xi32, #tpu.memory_space<vmem>> -> memref<1x128x128xi32, #tpu.memory_space<vmem>>
    %dma_start3A_239 = tpu.memref_squeeze %dma_start3A_238 : memref<1x128x128xi32, #tpu.memory_space<vmem>> -> memref<128x128xi32, #tpu.memory_space<vmem>>
    %dma_start3A_240 = arith.constant 0 : i32
    %dma_start3A_241 = tpu.memref_slice %arg4[%add3A_234, %dma_start3A_240] : memref<16384x128xi32, #tpu.memory_space<hbm>> -> memref<128x128xi32, #tpu.memory_space<hbm>>
    %dma_start3A_242 = arith.constant 0 : i32
    %dma_start3A_243 = tpu.memref_slice %arg4[%add3A_234, %dma_start3A_242] : memref<16384x128xi32, #tpu.memory_space<hbm>> -> memref<128x128xi32, #tpu.memory_space<hbm>>
    %dma_start3A_244 = arith.constant 0 : i32
    %dma_start3A_245 = arith.constant 0 : i32
    %dma_start3A_246 = tpu.memref_slice %arg8[%dma_start3A_235, %dma_start3A_244, %dma_start3A_245] : memref<6x128x128xi32, #tpu.memory_space<vmem>> -> memref<1x128x128xi32, #tpu.memory_space<vmem>>
    %dma_start3A_247 = tpu.memref_squeeze %dma_start3A_246 : memref<1x128x128xi32, #tpu.memory_space<vmem>> -> memref<128x128xi32, #tpu.memory_space<vmem>>
    tpu.enqueue_dma source(%dma_start3A_247 : memref<128x128xi32, #tpu.memory_space<vmem>>) target(%dma_start3A_243 : memref<128x128xi32, #tpu.memory_space<hbm>>) target_semaphore(%arg18 : memref<!tpu.dma_semaphore, #tpu.memory_space<semaphore_mem>>)
    %dma_wait3A_248 = arith.constant 3 : i32
    %dma_wait3A_249 = arith.constant 0 : i32
    %dma_wait3A_250 = arith.constant 0 : i32
    %dma_wait3A_251 = tpu.memref_slice %arg8[%dma_wait3A_248, %dma_wait3A_249, %dma_wait3A_250] : memref<6x128x128xi32, #tpu.memory_space<vmem>> -> memref<1x128x128xi32, #tpu.memory_space<vmem>>
    %dma_wait3A_252 = tpu.memref_squeeze %dma_wait3A_251 : memref<1x128x128xi32, #tpu.memory_space<vmem>> -> memref<128x128xi32, #tpu.memory_space<vmem>>
    %dma_wait3A_253 = arith.constant 0 : i32
    %dma_wait3A_254 = tpu.memref_slice %arg4[%add3A_234, %dma_wait3A_253] : memref<16384x128xi32, #tpu.memory_space<hbm>> -> memref<128x128xi32, #tpu.memory_space<hbm>>
    %dma_wait3A_255 = arith.constant 0 : i32
    %dma_wait3A_256 = tpu.memref_slice %arg4[%add3A_234, %dma_wait3A_255] : memref<16384x128xi32, #tpu.memory_space<hbm>> -> memref<128x128xi32, #tpu.memory_space<hbm>>
    %dma_wait3A_257 = arith.constant 0 : i32
    %dma_wait3A_258 = arith.constant 0 : i32
    %dma_wait3A_259 = tpu.memref_slice %arg8[%dma_wait3A_248, %dma_wait3A_257, %dma_wait3A_258] : memref<6x128x128xi32, #tpu.memory_space<vmem>> -> memref<1x128x128xi32, #tpu.memory_space<vmem>>
    %dma_wait3A_260 = tpu.memref_squeeze %dma_wait3A_259 : memref<1x128x128xi32, #tpu.memory_space<vmem>> -> memref<128x128xi32, #tpu.memory_space<vmem>>
    tpu.wait_dma2 semaphore(%arg18 : memref<!tpu.dma_semaphore, #tpu.memory_space<semaphore_mem>>) src(%dma_wait3A_260 : memref<128x128xi32, #tpu.memory_space<vmem>>) dst(%dma_wait3A_256 : memref<128x128xi32, #tpu.memory_space<hbm>>)
    %dma_start3A_261 = arith.constant 3 : i32
    %dma_start3A_262 = arith.constant 0 : i32
    %dma_start3A_263 = arith.constant 0 : i32
    %dma_start3A_264 = tpu.memref_slice %arg8[%dma_start3A_261, %dma_start3A_262, %dma_start3A_263] : memref<6x128x128xi32, #tpu.memory_space<vmem>> -> memref<1x128x128xi32, #tpu.memory_space<vmem>>
    %dma_start3A_265 = tpu.memref_squeeze %dma_start3A_264 : memref<1x128x128xi32, #tpu.memory_space<vmem>> -> memref<128x128xi32, #tpu.memory_space<vmem>>
    %dma_start3A_266 = arith.constant 1152 : i32
    %dma_start3A_267 = tpu.memref_slice %arg7[%dma_start3A_266] : memref<1536xi32, #tpu.memory_space<vmem>> -> memref<128xi32, #tpu.memory_space<vmem>>
    %dma_start3A_268 = arith.constant 0 : i32
    %dma_start3A_269 = arith.constant 0 : i32
    %dma_start3A_270 = tpu.memref_slice %arg3[%dma_start3A_268, %dma_start3A_269] : memref<131072x128xi32, #tpu.memory_space<hbm>> -> memref<131072x128xi32, #tpu.memory_space<hbm>>
    tpu.enqueue_indirect_dma source(%dma_start3A_270 : memref<131072x128xi32, #tpu.memory_space<hbm>>) target(%dma_start3A_265 : memref<128x128xi32, #tpu.memory_space<vmem>>) offsets(%dma_start3A_267 : memref<128xi32, #tpu.memory_space<vmem>>) semaphore(%arg12 : memref<!tpu.dma_semaphore, #tpu.memory_space<semaphore_mem>>)
    %dma_wait3A_271 = arith.constant 4 : i32
    %dma_wait3A_272 = arith.constant 0 : i32
    %dma_wait3A_273 = arith.constant 0 : i32
    %dma_wait3A_274 = tpu.memref_slice %arg8[%dma_wait3A_271, %dma_wait3A_272, %dma_wait3A_273] : memref<6x128x128xi32, #tpu.memory_space<vmem>> -> memref<1x128x128xi32, #tpu.memory_space<vmem>>
    %dma_wait3A_275 = tpu.memref_squeeze %dma_wait3A_274 : memref<1x128x128xi32, #tpu.memory_space<vmem>> -> memref<128x128xi32, #tpu.memory_space<vmem>>
    %dma_wait3A_276 = arith.constant 512 : i32
    %dma_wait3A_277 = tpu.memref_slice %arg7[%dma_wait3A_276] : memref<1536xi32, #tpu.memory_space<vmem>> -> memref<128xi32, #tpu.memory_space<vmem>>
    %dma_wait3A_278 = arith.constant 0 : i32
    %dma_wait3A_279 = arith.constant 0 : i32
    %dma_wait3A_280 = tpu.memref_slice %arg3[%dma_wait3A_278, %dma_wait3A_279] : memref<131072x128xi32, #tpu.memory_space<hbm>> -> memref<131072x128xi32, #tpu.memory_space<hbm>>
    tpu.wait_indirect_dma semaphore(%arg13 : memref<!tpu.dma_semaphore, #tpu.memory_space<semaphore_mem>>) src(%dma_wait3A_280 : memref<131072x128xi32, #tpu.memory_space<hbm>>) dst(%dma_wait3A_275 : memref<128x128xi32, #tpu.memory_space<vmem>>)
    %mul3A_281 = arith.constant 512 : i32
    %mul3A_282 = arith.muli %add3A, %mul3A_281 : i32
    %add3A_283 = arith.constant 0 : i32
    %add3A_284 = arith.addi %mul3A_282, %add3A_283 : i32
    %dma_start3A_285 = arith.constant 4 : i32
    %dma_start3A_286 = arith.constant 0 : i32
    %dma_start3A_287 = arith.constant 0 : i32
    %dma_start3A_288 = tpu.memref_slice %arg8[%dma_start3A_285, %dma_start3A_286, %dma_start3A_287] : memref<6x128x128xi32, #tpu.memory_space<vmem>> -> memref<1x128x128xi32, #tpu.memory_space<vmem>>
    %dma_start3A_289 = tpu.memref_squeeze %dma_start3A_288 : memref<1x128x128xi32, #tpu.memory_space<vmem>> -> memref<128x128xi32, #tpu.memory_space<vmem>>
    %dma_start3A_290 = arith.constant 0 : i32
    %dma_start3A_291 = tpu.memref_slice %arg5[%add3A_284, %dma_start3A_290] : memref<16384x128xi32, #tpu.memory_space<hbm>> -> memref<128x128xi32, #tpu.memory_space<hbm>>
    %dma_start3A_292 = arith.constant 0 : i32
    %dma_start3A_293 = tpu.memref_slice %arg5[%add3A_284, %dma_start3A_292] : memref<16384x128xi32, #tpu.memory_space<hbm>> -> memref<128x128xi32, #tpu.memory_space<hbm>>
    %dma_start3A_294 = arith.constant 0 : i32
    %dma_start3A_295 = arith.constant 0 : i32
    %dma_start3A_296 = tpu.memref_slice %arg8[%dma_start3A_285, %dma_start3A_294, %dma_start3A_295] : memref<6x128x128xi32, #tpu.memory_space<vmem>> -> memref<1x128x128xi32, #tpu.memory_space<vmem>>
    %dma_start3A_297 = tpu.memref_squeeze %dma_start3A_296 : memref<1x128x128xi32, #tpu.memory_space<vmem>> -> memref<128x128xi32, #tpu.memory_space<vmem>>
    tpu.enqueue_dma source(%dma_start3A_297 : memref<128x128xi32, #tpu.memory_space<vmem>>) target(%dma_start3A_293 : memref<128x128xi32, #tpu.memory_space<hbm>>) target_semaphore(%arg19 : memref<!tpu.dma_semaphore, #tpu.memory_space<semaphore_mem>>)
    %dma_wait3A_298 = arith.constant 4 : i32
    %dma_wait3A_299 = arith.constant 0 : i32
    %dma_wait3A_300 = arith.constant 0 : i32
    %dma_wait3A_301 = tpu.memref_slice %arg8[%dma_wait3A_298, %dma_wait3A_299, %dma_wait3A_300] : memref<6x128x128xi32, #tpu.memory_space<vmem>> -> memref<1x128x128xi32, #tpu.memory_space<vmem>>
    %dma_wait3A_302 = tpu.memref_squeeze %dma_wait3A_301 : memref<1x128x128xi32, #tpu.memory_space<vmem>> -> memref<128x128xi32, #tpu.memory_space<vmem>>
    %dma_wait3A_303 = arith.constant 0 : i32
    %dma_wait3A_304 = tpu.memref_slice %arg5[%add3A_284, %dma_wait3A_303] : memref<16384x128xi32, #tpu.memory_space<hbm>> -> memref<128x128xi32, #tpu.memory_space<hbm>>
    %dma_wait3A_305 = arith.constant 0 : i32
    %dma_wait3A_306 = tpu.memref_slice %arg5[%add3A_284, %dma_wait3A_305] : memref<16384x128xi32, #tpu.memory_space<hbm>> -> memref<128x128xi32, #tpu.memory_space<hbm>>
    %dma_wait3A_307 = arith.constant 0 : i32
    %dma_wait3A_308 = arith.constant 0 : i32
    %dma_wait3A_309 = tpu.memref_slice %arg8[%dma_wait3A_298, %dma_wait3A_307, %dma_wait3A_308] : memref<6x128x128xi32, #tpu.memory_space<vmem>> -> memref<1x128x128xi32, #tpu.memory_space<vmem>>
    %dma_wait3A_310 = tpu.memref_squeeze %dma_wait3A_309 : memref<1x128x128xi32, #tpu.memory_space<vmem>> -> memref<128x128xi32, #tpu.memory_space<vmem>>
    tpu.wait_dma2 semaphore(%arg19 : memref<!tpu.dma_semaphore, #tpu.memory_space<semaphore_mem>>) src(%dma_wait3A_310 : memref<128x128xi32, #tpu.memory_space<vmem>>) dst(%dma_wait3A_306 : memref<128x128xi32, #tpu.memory_space<hbm>>)
    %dma_start3A_311 = arith.constant 4 : i32
    %dma_start3A_312 = arith.constant 0 : i32
    %dma_start3A_313 = arith.constant 0 : i32
    %dma_start3A_314 = tpu.memref_slice %arg8[%dma_start3A_311, %dma_start3A_312, %dma_start3A_313] : memref<6x128x128xi32, #tpu.memory_space<vmem>> -> memref<1x128x128xi32, #tpu.memory_space<vmem>>
    %dma_start3A_315 = tpu.memref_squeeze %dma_start3A_314 : memref<1x128x128xi32, #tpu.memory_space<vmem>> -> memref<128x128xi32, #tpu.memory_space<vmem>>
    %dma_start3A_316 = arith.constant 1280 : i32
    %dma_start3A_317 = tpu.memref_slice %arg7[%dma_start3A_316] : memref<1536xi32, #tpu.memory_space<vmem>> -> memref<128xi32, #tpu.memory_space<vmem>>
    %dma_start3A_318 = arith.constant 0 : i32
    %dma_start3A_319 = arith.constant 0 : i32
    %dma_start3A_320 = tpu.memref_slice %arg3[%dma_start3A_318, %dma_start3A_319] : memref<131072x128xi32, #tpu.memory_space<hbm>> -> memref<131072x128xi32, #tpu.memory_space<hbm>>
    tpu.enqueue_indirect_dma source(%dma_start3A_320 : memref<131072x128xi32, #tpu.memory_space<hbm>>) target(%dma_start3A_315 : memref<128x128xi32, #tpu.memory_space<vmem>>) offsets(%dma_start3A_317 : memref<128xi32, #tpu.memory_space<vmem>>) semaphore(%arg13 : memref<!tpu.dma_semaphore, #tpu.memory_space<semaphore_mem>>)
    %dma_wait3A_321 = arith.constant 5 : i32
    %dma_wait3A_322 = arith.constant 0 : i32
    %dma_wait3A_323 = arith.constant 0 : i32
    %dma_wait3A_324 = tpu.memref_slice %arg8[%dma_wait3A_321, %dma_wait3A_322, %dma_wait3A_323] : memref<6x128x128xi32, #tpu.memory_space<vmem>> -> memref<1x128x128xi32, #tpu.memory_space<vmem>>
    %dma_wait3A_325 = tpu.memref_squeeze %dma_wait3A_324 : memref<1x128x128xi32, #tpu.memory_space<vmem>> -> memref<128x128xi32, #tpu.memory_space<vmem>>
    %dma_wait3A_326 = arith.constant 640 : i32
    %dma_wait3A_327 = tpu.memref_slice %arg7[%dma_wait3A_326] : memref<1536xi32, #tpu.memory_space<vmem>> -> memref<128xi32, #tpu.memory_space<vmem>>
    %dma_wait3A_328 = arith.constant 0 : i32
    %dma_wait3A_329 = arith.constant 0 : i32
    %dma_wait3A_330 = tpu.memref_slice %arg3[%dma_wait3A_328, %dma_wait3A_329] : memref<131072x128xi32, #tpu.memory_space<hbm>> -> memref<131072x128xi32, #tpu.memory_space<hbm>>
    tpu.wait_indirect_dma semaphore(%arg14 : memref<!tpu.dma_semaphore, #tpu.memory_space<semaphore_mem>>) src(%dma_wait3A_330 : memref<131072x128xi32, #tpu.memory_space<hbm>>) dst(%dma_wait3A_325 : memref<128x128xi32, #tpu.memory_space<vmem>>)
    %mul3A_331 = arith.constant 512 : i32
    %mul3A_332 = arith.muli %add3A, %mul3A_331 : i32
    %add3A_333 = arith.constant 128 : i32
    %add3A_334 = arith.addi %mul3A_332, %add3A_333 : i32
    %dma_start3A_335 = arith.constant 5 : i32
    %dma_start3A_336 = arith.constant 0 : i32
    %dma_start3A_337 = arith.constant 0 : i32
    %dma_start3A_338 = tpu.memref_slice %arg8[%dma_start3A_335, %dma_start3A_336, %dma_start3A_337] : memref<6x128x128xi32, #tpu.memory_space<vmem>> -> memref<1x128x128xi32, #tpu.memory_space<vmem>>
    %dma_start3A_339 = tpu.memref_squeeze %dma_start3A_338 : memref<1x128x128xi32, #tpu.memory_space<vmem>> -> memref<128x128xi32, #tpu.memory_space<vmem>>
    %dma_start3A_340 = arith.constant 0 : i32
    %dma_start3A_341 = tpu.memref_slice %arg5[%add3A_334, %dma_start3A_340] : memref<16384x128xi32, #tpu.memory_space<hbm>> -> memref<128x128xi32, #tpu.memory_space<hbm>>
    %dma_start3A_342 = arith.constant 0 : i32
    %dma_start3A_343 = tpu.memref_slice %arg5[%add3A_334, %dma_start3A_342] : memref<16384x128xi32, #tpu.memory_space<hbm>> -> memref<128x128xi32, #tpu.memory_space<hbm>>
    %dma_start3A_344 = arith.constant 0 : i32
    %dma_start3A_345 = arith.constant 0 : i32
    %dma_start3A_346 = tpu.memref_slice %arg8[%dma_start3A_335, %dma_start3A_344, %dma_start3A_345] : memref<6x128x128xi32, #tpu.memory_space<vmem>> -> memref<1x128x128xi32, #tpu.memory_space<vmem>>
    %dma_start3A_347 = tpu.memref_squeeze %dma_start3A_346 : memref<1x128x128xi32, #tpu.memory_space<vmem>> -> memref<128x128xi32, #tpu.memory_space<vmem>>
    tpu.enqueue_dma source(%dma_start3A_347 : memref<128x128xi32, #tpu.memory_space<vmem>>) target(%dma_start3A_343 : memref<128x128xi32, #tpu.memory_space<hbm>>) target_semaphore(%arg20 : memref<!tpu.dma_semaphore, #tpu.memory_space<semaphore_mem>>)
    %dma_wait3A_348 = arith.constant 5 : i32
    %dma_wait3A_349 = arith.constant 0 : i32
    %dma_wait3A_350 = arith.constant 0 : i32
    %dma_wait3A_351 = tpu.memref_slice %arg8[%dma_wait3A_348, %dma_wait3A_349, %dma_wait3A_350] : memref<6x128x128xi32, #tpu.memory_space<vmem>> -> memref<1x128x128xi32, #tpu.memory_space<vmem>>
    %dma_wait3A_352 = tpu.memref_squeeze %dma_wait3A_351 : memref<1x128x128xi32, #tpu.memory_space<vmem>> -> memref<128x128xi32, #tpu.memory_space<vmem>>
    %dma_wait3A_353 = arith.constant 0 : i32
    %dma_wait3A_354 = tpu.memref_slice %arg5[%add3A_334, %dma_wait3A_353] : memref<16384x128xi32, #tpu.memory_space<hbm>> -> memref<128x128xi32, #tpu.memory_space<hbm>>
    %dma_wait3A_355 = arith.constant 0 : i32
    %dma_wait3A_356 = tpu.memref_slice %arg5[%add3A_334, %dma_wait3A_355] : memref<16384x128xi32, #tpu.memory_space<hbm>> -> memref<128x128xi32, #tpu.memory_space<hbm>>
    %dma_wait3A_357 = arith.constant 0 : i32
    %dma_wait3A_358 = arith.constant 0 : i32
    %dma_wait3A_359 = tpu.memref_slice %arg8[%dma_wait3A_348, %dma_wait3A_357, %dma_wait3A_358] : memref<6x128x128xi32, #tpu.memory_space<vmem>> -> memref<1x128x128xi32, #tpu.memory_space<vmem>>
    %dma_wait3A_360 = tpu.memref_squeeze %dma_wait3A_359 : memref<1x128x128xi32, #tpu.memory_space<vmem>> -> memref<128x128xi32, #tpu.memory_space<vmem>>
    tpu.wait_dma2 semaphore(%arg20 : memref<!tpu.dma_semaphore, #tpu.memory_space<semaphore_mem>>) src(%dma_wait3A_360 : memref<128x128xi32, #tpu.memory_space<vmem>>) dst(%dma_wait3A_356 : memref<128x128xi32, #tpu.memory_space<hbm>>)
    %dma_start3A_361 = arith.constant 5 : i32
    %dma_start3A_362 = arith.constant 0 : i32
    %dma_start3A_363 = arith.constant 0 : i32
    %dma_start3A_364 = tpu.memref_slice %arg8[%dma_start3A_361, %dma_start3A_362, %dma_start3A_363] : memref<6x128x128xi32, #tpu.memory_space<vmem>> -> memref<1x128x128xi32, #tpu.memory_space<vmem>>
    %dma_start3A_365 = tpu.memref_squeeze %dma_start3A_364 : memref<1x128x128xi32, #tpu.memory_space<vmem>> -> memref<128x128xi32, #tpu.memory_space<vmem>>
    %dma_start3A_366 = arith.constant 1408 : i32
    %dma_start3A_367 = tpu.memref_slice %arg7[%dma_start3A_366] : memref<1536xi32, #tpu.memory_space<vmem>> -> memref<128xi32, #tpu.memory_space<vmem>>
    %dma_start3A_368 = arith.constant 0 : i32
    %dma_start3A_369 = arith.constant 0 : i32
    %dma_start3A_370 = tpu.memref_slice %arg3[%dma_start3A_368, %dma_start3A_369] : memref<131072x128xi32, #tpu.memory_space<hbm>> -> memref<131072x128xi32, #tpu.memory_space<hbm>>
    tpu.enqueue_indirect_dma source(%dma_start3A_370 : memref<131072x128xi32, #tpu.memory_space<hbm>>) target(%dma_start3A_365 : memref<128x128xi32, #tpu.memory_space<vmem>>) offsets(%dma_start3A_367 : memref<128xi32, #tpu.memory_space<vmem>>) semaphore(%arg14 : memref<!tpu.dma_semaphore, #tpu.memory_space<semaphore_mem>>)
    %dma_wait3A_371 = arith.constant 0 : i32
    %dma_wait3A_372 = arith.constant 0 : i32
    %dma_wait3A_373 = arith.constant 0 : i32
    %dma_wait3A_374 = tpu.memref_slice %arg8[%dma_wait3A_371, %dma_wait3A_372, %dma_wait3A_373] : memref<6x128x128xi32, #tpu.memory_space<vmem>> -> memref<1x128x128xi32, #tpu.memory_space<vmem>>
    %dma_wait3A_375 = tpu.memref_squeeze %dma_wait3A_374 : memref<1x128x128xi32, #tpu.memory_space<vmem>> -> memref<128x128xi32, #tpu.memory_space<vmem>>
    %dma_wait3A_376 = arith.constant 768 : i32
    %dma_wait3A_377 = tpu.memref_slice %arg7[%dma_wait3A_376] : memref<1536xi32, #tpu.memory_space<vmem>> -> memref<128xi32, #tpu.memory_space<vmem>>
    %dma_wait3A_378 = arith.constant 0 : i32
    %dma_wait3A_379 = arith.constant 0 : i32
    %dma_wait3A_380 = tpu.memref_slice %arg3[%dma_wait3A_378, %dma_wait3A_379] : memref<131072x128xi32, #tpu.memory_space<hbm>> -> memref<131072x128xi32, #tpu.memory_space<hbm>>
    tpu.wait_indirect_dma semaphore(%arg9 : memref<!tpu.dma_semaphore, #tpu.memory_space<semaphore_mem>>) src(%dma_wait3A_380 : memref<131072x128xi32, #tpu.memory_space<hbm>>) dst(%dma_wait3A_375 : memref<128x128xi32, #tpu.memory_space<vmem>>)
    %mul3A_381 = arith.constant 512 : i32
    %mul3A_382 = arith.muli %add3A, %mul3A_381 : i32
    %add3A_383 = arith.constant 256 : i32
    %add3A_384 = arith.addi %mul3A_382, %add3A_383 : i32
    %dma_start3A_385 = arith.constant 0 : i32
    %dma_start3A_386 = arith.constant 0 : i32
    %dma_start3A_387 = arith.constant 0 : i32
    %dma_start3A_388 = tpu.memref_slice %arg8[%dma_start3A_385, %dma_start3A_386, %dma_start3A_387] : memref<6x128x128xi32, #tpu.memory_space<vmem>> -> memref<1x128x128xi32, #tpu.memory_space<vmem>>
    %dma_start3A_389 = tpu.memref_squeeze %dma_start3A_388 : memref<1x128x128xi32, #tpu.memory_space<vmem>> -> memref<128x128xi32, #tpu.memory_space<vmem>>
    %dma_start3A_390 = arith.constant 0 : i32
    %dma_start3A_391 = tpu.memref_slice %arg5[%add3A_384, %dma_start3A_390] : memref<16384x128xi32, #tpu.memory_space<hbm>> -> memref<128x128xi32, #tpu.memory_space<hbm>>
    %dma_start3A_392 = arith.constant 0 : i32
    %dma_start3A_393 = tpu.memref_slice %arg5[%add3A_384, %dma_start3A_392] : memref<16384x128xi32, #tpu.memory_space<hbm>> -> memref<128x128xi32, #tpu.memory_space<hbm>>
    %dma_start3A_394 = arith.constant 0 : i32
    %dma_start3A_395 = arith.constant 0 : i32
    %dma_start3A_396 = tpu.memref_slice %arg8[%dma_start3A_385, %dma_start3A_394, %dma_start3A_395] : memref<6x128x128xi32, #tpu.memory_space<vmem>> -> memref<1x128x128xi32, #tpu.memory_space<vmem>>
    %dma_start3A_397 = tpu.memref_squeeze %dma_start3A_396 : memref<1x128x128xi32, #tpu.memory_space<vmem>> -> memref<128x128xi32, #tpu.memory_space<vmem>>
    tpu.enqueue_dma source(%dma_start3A_397 : memref<128x128xi32, #tpu.memory_space<vmem>>) target(%dma_start3A_393 : memref<128x128xi32, #tpu.memory_space<hbm>>) target_semaphore(%arg15 : memref<!tpu.dma_semaphore, #tpu.memory_space<semaphore_mem>>)
    %dma_wait3A_398 = arith.constant 1 : i32
    %dma_wait3A_399 = arith.constant 0 : i32
    %dma_wait3A_400 = arith.constant 0 : i32
    %dma_wait3A_401 = tpu.memref_slice %arg8[%dma_wait3A_398, %dma_wait3A_399, %dma_wait3A_400] : memref<6x128x128xi32, #tpu.memory_space<vmem>> -> memref<1x128x128xi32, #tpu.memory_space<vmem>>
    %dma_wait3A_402 = tpu.memref_squeeze %dma_wait3A_401 : memref<1x128x128xi32, #tpu.memory_space<vmem>> -> memref<128x128xi32, #tpu.memory_space<vmem>>
    %dma_wait3A_403 = arith.constant 896 : i32
    %dma_wait3A_404 = tpu.memref_slice %arg7[%dma_wait3A_403] : memref<1536xi32, #tpu.memory_space<vmem>> -> memref<128xi32, #tpu.memory_space<vmem>>
    %dma_wait3A_405 = arith.constant 0 : i32
    %dma_wait3A_406 = arith.constant 0 : i32
    %dma_wait3A_407 = tpu.memref_slice %arg3[%dma_wait3A_405, %dma_wait3A_406] : memref<131072x128xi32, #tpu.memory_space<hbm>> -> memref<131072x128xi32, #tpu.memory_space<hbm>>
    tpu.wait_indirect_dma semaphore(%arg10 : memref<!tpu.dma_semaphore, #tpu.memory_space<semaphore_mem>>) src(%dma_wait3A_407 : memref<131072x128xi32, #tpu.memory_space<hbm>>) dst(%dma_wait3A_402 : memref<128x128xi32, #tpu.memory_space<vmem>>)
    %mul3A_408 = arith.constant 512 : i32
    %mul3A_409 = arith.muli %add3A, %mul3A_408 : i32
    %add3A_410 = arith.constant 384 : i32
    %add3A_411 = arith.addi %mul3A_409, %add3A_410 : i32
    %dma_start3A_412 = arith.constant 1 : i32
    %dma_start3A_413 = arith.constant 0 : i32
    %dma_start3A_414 = arith.constant 0 : i32
    %dma_start3A_415 = tpu.memref_slice %arg8[%dma_start3A_412, %dma_start3A_413, %dma_start3A_414] : memref<6x128x128xi32, #tpu.memory_space<vmem>> -> memref<1x128x128xi32, #tpu.memory_space<vmem>>
    %dma_start3A_416 = tpu.memref_squeeze %dma_start3A_415 : memref<1x128x128xi32, #tpu.memory_space<vmem>> -> memref<128x128xi32, #tpu.memory_space<vmem>>
    %dma_start3A_417 = arith.constant 0 : i32
    %dma_start3A_418 = tpu.memref_slice %arg5[%add3A_411, %dma_start3A_417] : memref<16384x128xi32, #tpu.memory_space<hbm>> -> memref<128x128xi32, #tpu.memory_space<hbm>>
    %dma_start3A_419 = arith.constant 0 : i32
    %dma_start3A_420 = tpu.memref_slice %arg5[%add3A_411, %dma_start3A_419] : memref<16384x128xi32, #tpu.memory_space<hbm>> -> memref<128x128xi32, #tpu.memory_space<hbm>>
    %dma_start3A_421 = arith.constant 0 : i32
    %dma_start3A_422 = arith.constant 0 : i32
    %dma_start3A_423 = tpu.memref_slice %arg8[%dma_start3A_412, %dma_start3A_421, %dma_start3A_422] : memref<6x128x128xi32, #tpu.memory_space<vmem>> -> memref<1x128x128xi32, #tpu.memory_space<vmem>>
    %dma_start3A_424 = tpu.memref_squeeze %dma_start3A_423 : memref<1x128x128xi32, #tpu.memory_space<vmem>> -> memref<128x128xi32, #tpu.memory_space<vmem>>
    tpu.enqueue_dma source(%dma_start3A_424 : memref<128x128xi32, #tpu.memory_space<vmem>>) target(%dma_start3A_420 : memref<128x128xi32, #tpu.memory_space<hbm>>) target_semaphore(%arg16 : memref<!tpu.dma_semaphore, #tpu.memory_space<semaphore_mem>>)
    %dma_wait3A_425 = arith.constant 2 : i32
    %dma_wait3A_426 = arith.constant 0 : i32
    %dma_wait3A_427 = arith.constant 0 : i32
    %dma_wait3A_428 = tpu.memref_slice %arg8[%dma_wait3A_425, %dma_wait3A_426, %dma_wait3A_427] : memref<6x128x128xi32, #tpu.memory_space<vmem>> -> memref<1x128x128xi32, #tpu.memory_space<vmem>>
    %dma_wait3A_429 = tpu.memref_squeeze %dma_wait3A_428 : memref<1x128x128xi32, #tpu.memory_space<vmem>> -> memref<128x128xi32, #tpu.memory_space<vmem>>
    %dma_wait3A_430 = arith.constant 1024 : i32
    %dma_wait3A_431 = tpu.memref_slice %arg7[%dma_wait3A_430] : memref<1536xi32, #tpu.memory_space<vmem>> -> memref<128xi32, #tpu.memory_space<vmem>>
    %dma_wait3A_432 = arith.constant 0 : i32
    %dma_wait3A_433 = arith.constant 0 : i32
    %dma_wait3A_434 = tpu.memref_slice %arg3[%dma_wait3A_432, %dma_wait3A_433] : memref<131072x128xi32, #tpu.memory_space<hbm>> -> memref<131072x128xi32, #tpu.memory_space<hbm>>
    tpu.wait_indirect_dma semaphore(%arg11 : memref<!tpu.dma_semaphore, #tpu.memory_space<semaphore_mem>>) src(%dma_wait3A_434 : memref<131072x128xi32, #tpu.memory_space<hbm>>) dst(%dma_wait3A_429 : memref<128x128xi32, #tpu.memory_space<vmem>>)
    %mul3A_435 = arith.constant 512 : i32
    %mul3A_436 = arith.muli %add3A, %mul3A_435 : i32
    %add3A_437 = arith.constant 0 : i32
    %add3A_438 = arith.addi %mul3A_436, %add3A_437 : i32
    %dma_start3A_439 = arith.constant 2 : i32
    %dma_start3A_440 = arith.constant 0 : i32
    %dma_start3A_441 = arith.constant 0 : i32
    %dma_start3A_442 = tpu.memref_slice %arg8[%dma_start3A_439, %dma_start3A_440, %dma_start3A_441] : memref<6x128x128xi32, #tpu.memory_space<vmem>> -> memref<1x128x128xi32, #tpu.memory_space<vmem>>
    %dma_start3A_443 = tpu.memref_squeeze %dma_start3A_442 : memref<1x128x128xi32, #tpu.memory_space<vmem>> -> memref<128x128xi32, #tpu.memory_space<vmem>>
    %dma_start3A_444 = arith.constant 0 : i32
    %dma_start3A_445 = tpu.memref_slice %arg6[%add3A_438, %dma_start3A_444] : memref<16384x128xi32, #tpu.memory_space<hbm>> -> memref<128x128xi32, #tpu.memory_space<hbm>>
    %dma_start3A_446 = arith.constant 0 : i32
    %dma_start3A_447 = tpu.memref_slice %arg6[%add3A_438, %dma_start3A_446] : memref<16384x128xi32, #tpu.memory_space<hbm>> -> memref<128x128xi32, #tpu.memory_space<hbm>>
    %dma_start3A_448 = arith.constant 0 : i32
    %dma_start3A_449 = arith.constant 0 : i32
    %dma_start3A_450 = tpu.memref_slice %arg8[%dma_start3A_439, %dma_start3A_448, %dma_start3A_449] : memref<6x128x128xi32, #tpu.memory_space<vmem>> -> memref<1x128x128xi32, #tpu.memory_space<vmem>>
    %dma_start3A_451 = tpu.memref_squeeze %dma_start3A_450 : memref<1x128x128xi32, #tpu.memory_space<vmem>> -> memref<128x128xi32, #tpu.memory_space<vmem>>
    tpu.enqueue_dma source(%dma_start3A_451 : memref<128x128xi32, #tpu.memory_space<vmem>>) target(%dma_start3A_447 : memref<128x128xi32, #tpu.memory_space<hbm>>) target_semaphore(%arg17 : memref<!tpu.dma_semaphore, #tpu.memory_space<semaphore_mem>>)
    %dma_wait3A_452 = arith.constant 3 : i32
    %dma_wait3A_453 = arith.constant 0 : i32
    %dma_wait3A_454 = arith.constant 0 : i32
    %dma_wait3A_455 = tpu.memref_slice %arg8[%dma_wait3A_452, %dma_wait3A_453, %dma_wait3A_454] : memref<6x128x128xi32, #tpu.memory_space<vmem>> -> memref<1x128x128xi32, #tpu.memory_space<vmem>>
    %dma_wait3A_456 = tpu.memref_squeeze %dma_wait3A_455 : memref<1x128x128xi32, #tpu.memory_space<vmem>> -> memref<128x128xi32, #tpu.memory_space<vmem>>
    %dma_wait3A_457 = arith.constant 1152 : i32
    %dma_wait3A_458 = tpu.memref_slice %arg7[%dma_wait3A_457] : memref<1536xi32, #tpu.memory_space<vmem>> -> memref<128xi32, #tpu.memory_space<vmem>>
    %dma_wait3A_459 = arith.constant 0 : i32
    %dma_wait3A_460 = arith.constant 0 : i32
    %dma_wait3A_461 = tpu.memref_slice %arg3[%dma_wait3A_459, %dma_wait3A_460] : memref<131072x128xi32, #tpu.memory_space<hbm>> -> memref<131072x128xi32, #tpu.memory_space<hbm>>
    tpu.wait_indirect_dma semaphore(%arg12 : memref<!tpu.dma_semaphore, #tpu.memory_space<semaphore_mem>>) src(%dma_wait3A_461 : memref<131072x128xi32, #tpu.memory_space<hbm>>) dst(%dma_wait3A_456 : memref<128x128xi32, #tpu.memory_space<vmem>>)
    %mul3A_462 = arith.constant 512 : i32
    %mul3A_463 = arith.muli %add3A, %mul3A_462 : i32
    %add3A_464 = arith.constant 128 : i32
    %add3A_465 = arith.addi %mul3A_463, %add3A_464 : i32
    %dma_start3A_466 = arith.constant 3 : i32
    %dma_start3A_467 = arith.constant 0 : i32
    %dma_start3A_468 = arith.constant 0 : i32
    %dma_start3A_469 = tpu.memref_slice %arg8[%dma_start3A_466, %dma_start3A_467, %dma_start3A_468] : memref<6x128x128xi32, #tpu.memory_space<vmem>> -> memref<1x128x128xi32, #tpu.memory_space<vmem>>
    %dma_start3A_470 = tpu.memref_squeeze %dma_start3A_469 : memref<1x128x128xi32, #tpu.memory_space<vmem>> -> memref<128x128xi32, #tpu.memory_space<vmem>>
    %dma_start3A_471 = arith.constant 0 : i32
    %dma_start3A_472 = tpu.memref_slice %arg6[%add3A_465, %dma_start3A_471] : memref<16384x128xi32, #tpu.memory_space<hbm>> -> memref<128x128xi32, #tpu.memory_space<hbm>>
    %dma_start3A_473 = arith.constant 0 : i32
    %dma_start3A_474 = tpu.memref_slice %arg6[%add3A_465, %dma_start3A_473] : memref<16384x128xi32, #tpu.memory_space<hbm>> -> memref<128x128xi32, #tpu.memory_space<hbm>>
    %dma_start3A_475 = arith.constant 0 : i32
    %dma_start3A_476 = arith.constant 0 : i32
    %dma_start3A_477 = tpu.memref_slice %arg8[%dma_start3A_466, %dma_start3A_475, %dma_start3A_476] : memref<6x128x128xi32, #tpu.memory_space<vmem>> -> memref<1x128x128xi32, #tpu.memory_space<vmem>>
    %dma_start3A_478 = tpu.memref_squeeze %dma_start3A_477 : memref<1x128x128xi32, #tpu.memory_space<vmem>> -> memref<128x128xi32, #tpu.memory_space<vmem>>
    tpu.enqueue_dma source(%dma_start3A_478 : memref<128x128xi32, #tpu.memory_space<vmem>>) target(%dma_start3A_474 : memref<128x128xi32, #tpu.memory_space<hbm>>) target_semaphore(%arg18 : memref<!tpu.dma_semaphore, #tpu.memory_space<semaphore_mem>>)
    %dma_wait3A_479 = arith.constant 4 : i32
    %dma_wait3A_480 = arith.constant 0 : i32
    %dma_wait3A_481 = arith.constant 0 : i32
    %dma_wait3A_482 = tpu.memref_slice %arg8[%dma_wait3A_479, %dma_wait3A_480, %dma_wait3A_481] : memref<6x128x128xi32, #tpu.memory_space<vmem>> -> memref<1x128x128xi32, #tpu.memory_space<vmem>>
    %dma_wait3A_483 = tpu.memref_squeeze %dma_wait3A_482 : memref<1x128x128xi32, #tpu.memory_space<vmem>> -> memref<128x128xi32, #tpu.memory_space<vmem>>
    %dma_wait3A_484 = arith.constant 1280 : i32
    %dma_wait3A_485 = tpu.memref_slice %arg7[%dma_wait3A_484] : memref<1536xi32, #tpu.memory_space<vmem>> -> memref<128xi32, #tpu.memory_space<vmem>>
    %dma_wait3A_486 = arith.constant 0 : i32
    %dma_wait3A_487 = arith.constant 0 : i32
    %dma_wait3A_488 = tpu.memref_slice %arg3[%dma_wait3A_486, %dma_wait3A_487] : memref<131072x128xi32, #tpu.memory_space<hbm>> -> memref<131072x128xi32, #tpu.memory_space<hbm>>
    tpu.wait_indirect_dma semaphore(%arg13 : memref<!tpu.dma_semaphore, #tpu.memory_space<semaphore_mem>>) src(%dma_wait3A_488 : memref<131072x128xi32, #tpu.memory_space<hbm>>) dst(%dma_wait3A_483 : memref<128x128xi32, #tpu.memory_space<vmem>>)
    %mul3A_489 = arith.constant 512 : i32
    %mul3A_490 = arith.muli %add3A, %mul3A_489 : i32
    %add3A_491 = arith.constant 256 : i32
    %add3A_492 = arith.addi %mul3A_490, %add3A_491 : i32
    %dma_start3A_493 = arith.constant 4 : i32
    %dma_start3A_494 = arith.constant 0 : i32
    %dma_start3A_495 = arith.constant 0 : i32
    %dma_start3A_496 = tpu.memref_slice %arg8[%dma_start3A_493, %dma_start3A_494, %dma_start3A_495] : memref<6x128x128xi32, #tpu.memory_space<vmem>> -> memref<1x128x128xi32, #tpu.memory_space<vmem>>
    %dma_start3A_497 = tpu.memref_squeeze %dma_start3A_496 : memref<1x128x128xi32, #tpu.memory_space<vmem>> -> memref<128x128xi32, #tpu.memory_space<vmem>>
    %dma_start3A_498 = arith.constant 0 : i32
    %dma_start3A_499 = tpu.memref_slice %arg6[%add3A_492, %dma_start3A_498] : memref<16384x128xi32, #tpu.memory_space<hbm>> -> memref<128x128xi32, #tpu.memory_space<hbm>>
    %dma_start3A_500 = arith.constant 0 : i32
    %dma_start3A_501 = tpu.memref_slice %arg6[%add3A_492, %dma_start3A_500] : memref<16384x128xi32, #tpu.memory_space<hbm>> -> memref<128x128xi32, #tpu.memory_space<hbm>>
    %dma_start3A_502 = arith.constant 0 : i32
    %dma_start3A_503 = arith.constant 0 : i32
    %dma_start3A_504 = tpu.memref_slice %arg8[%dma_start3A_493, %dma_start3A_502, %dma_start3A_503] : memref<6x128x128xi32, #tpu.memory_space<vmem>> -> memref<1x128x128xi32, #tpu.memory_space<vmem>>
    %dma_start3A_505 = tpu.memref_squeeze %dma_start3A_504 : memref<1x128x128xi32, #tpu.memory_space<vmem>> -> memref<128x128xi32, #tpu.memory_space<vmem>>
    tpu.enqueue_dma source(%dma_start3A_505 : memref<128x128xi32, #tpu.memory_space<vmem>>) target(%dma_start3A_501 : memref<128x128xi32, #tpu.memory_space<hbm>>) target_semaphore(%arg19 : memref<!tpu.dma_semaphore, #tpu.memory_space<semaphore_mem>>)
    %dma_wait3A_506 = arith.constant 5 : i32
    %dma_wait3A_507 = arith.constant 0 : i32
    %dma_wait3A_508 = arith.constant 0 : i32
    %dma_wait3A_509 = tpu.memref_slice %arg8[%dma_wait3A_506, %dma_wait3A_507, %dma_wait3A_508] : memref<6x128x128xi32, #tpu.memory_space<vmem>> -> memref<1x128x128xi32, #tpu.memory_space<vmem>>
    %dma_wait3A_510 = tpu.memref_squeeze %dma_wait3A_509 : memref<1x128x128xi32, #tpu.memory_space<vmem>> -> memref<128x128xi32, #tpu.memory_space<vmem>>
    %dma_wait3A_511 = arith.constant 1408 : i32
    %dma_wait3A_512 = tpu.memref_slice %arg7[%dma_wait3A_511] : memref<1536xi32, #tpu.memory_space<vmem>> -> memref<128xi32, #tpu.memory_space<vmem>>
    %dma_wait3A_513 = arith.constant 0 : i32
    %dma_wait3A_514 = arith.constant 0 : i32
    %dma_wait3A_515 = tpu.memref_slice %arg3[%dma_wait3A_513, %dma_wait3A_514] : memref<131072x128xi32, #tpu.memory_space<hbm>> -> memref<131072x128xi32, #tpu.memory_space<hbm>>
    tpu.wait_indirect_dma semaphore(%arg14 : memref<!tpu.dma_semaphore, #tpu.memory_space<semaphore_mem>>) src(%dma_wait3A_515 : memref<131072x128xi32, #tpu.memory_space<hbm>>) dst(%dma_wait3A_510 : memref<128x128xi32, #tpu.memory_space<vmem>>)
    %mul3A_516 = arith.constant 512 : i32
    %mul3A_517 = arith.muli %add3A, %mul3A_516 : i32
    %add3A_518 = arith.constant 384 : i32
    %add3A_519 = arith.addi %mul3A_517, %add3A_518 : i32
    %dma_start3A_520 = arith.constant 5 : i32
    %dma_start3A_521 = arith.constant 0 : i32
    %dma_start3A_522 = arith.constant 0 : i32
    %dma_start3A_523 = tpu.memref_slice %arg8[%dma_start3A_520, %dma_start3A_521, %dma_start3A_522] : memref<6x128x128xi32, #tpu.memory_space<vmem>> -> memref<1x128x128xi32, #tpu.memory_space<vmem>>
    %dma_start3A_524 = tpu.memref_squeeze %dma_start3A_523 : memref<1x128x128xi32, #tpu.memory_space<vmem>> -> memref<128x128xi32, #tpu.memory_space<vmem>>
    %dma_start3A_525 = arith.constant 0 : i32
    %dma_start3A_526 = tpu.memref_slice %arg6[%add3A_519, %dma_start3A_525] : memref<16384x128xi32, #tpu.memory_space<hbm>> -> memref<128x128xi32, #tpu.memory_space<hbm>>
    %dma_start3A_527 = arith.constant 0 : i32
    %dma_start3A_528 = tpu.memref_slice %arg6[%add3A_519, %dma_start3A_527] : memref<16384x128xi32, #tpu.memory_space<hbm>> -> memref<128x128xi32, #tpu.memory_space<hbm>>
    %dma_start3A_529 = arith.constant 0 : i32
    %dma_start3A_530 = arith.constant 0 : i32
    %dma_start3A_531 = tpu.memref_slice %arg8[%dma_start3A_520, %dma_start3A_529, %dma_start3A_530] : memref<6x128x128xi32, #tpu.memory_space<vmem>> -> memref<1x128x128xi32, #tpu.memory_space<vmem>>
    %dma_start3A_532 = tpu.memref_squeeze %dma_start3A_531 : memref<1x128x128xi32, #tpu.memory_space<vmem>> -> memref<128x128xi32, #tpu.memory_space<vmem>>
    tpu.enqueue_dma source(%dma_start3A_532 : memref<128x128xi32, #tpu.memory_space<vmem>>) target(%dma_start3A_528 : memref<128x128xi32, #tpu.memory_space<hbm>>) target_semaphore(%arg20 : memref<!tpu.dma_semaphore, #tpu.memory_space<semaphore_mem>>)
    %dma_wait3A_533 = arith.constant 0 : i32
    %dma_wait3A_534 = arith.constant 0 : i32
    %dma_wait3A_535 = arith.constant 0 : i32
    %dma_wait3A_536 = tpu.memref_slice %arg8[%dma_wait3A_533, %dma_wait3A_534, %dma_wait3A_535] : memref<6x128x128xi32, #tpu.memory_space<vmem>> -> memref<1x128x128xi32, #tpu.memory_space<vmem>>
    %dma_wait3A_537 = tpu.memref_squeeze %dma_wait3A_536 : memref<1x128x128xi32, #tpu.memory_space<vmem>> -> memref<128x128xi32, #tpu.memory_space<vmem>>
    %dma_wait3A_538 = arith.constant 0 : i32
    %dma_wait3A_539 = tpu.memref_slice %arg5[%add3A_384, %dma_wait3A_538] : memref<16384x128xi32, #tpu.memory_space<hbm>> -> memref<128x128xi32, #tpu.memory_space<hbm>>
    %dma_wait3A_540 = arith.constant 0 : i32
    %dma_wait3A_541 = tpu.memref_slice %arg5[%add3A_384, %dma_wait3A_540] : memref<16384x128xi32, #tpu.memory_space<hbm>> -> memref<128x128xi32, #tpu.memory_space<hbm>>
    %dma_wait3A_542 = arith.constant 0 : i32
    %dma_wait3A_543 = arith.constant 0 : i32
    %dma_wait3A_544 = tpu.memref_slice %arg8[%dma_wait3A_533, %dma_wait3A_542, %dma_wait3A_543] : memref<6x128x128xi32, #tpu.memory_space<vmem>> -> memref<1x128x128xi32, #tpu.memory_space<vmem>>
    %dma_wait3A_545 = tpu.memref_squeeze %dma_wait3A_544 : memref<1x128x128xi32, #tpu.memory_space<vmem>> -> memref<128x128xi32, #tpu.memory_space<vmem>>
    tpu.wait_dma2 semaphore(%arg15 : memref<!tpu.dma_semaphore, #tpu.memory_space<semaphore_mem>>) src(%dma_wait3A_545 : memref<128x128xi32, #tpu.memory_space<vmem>>) dst(%dma_wait3A_541 : memref<128x128xi32, #tpu.memory_space<hbm>>)
    %dma_wait3A_546 = arith.constant 1 : i32
    %dma_wait3A_547 = arith.constant 0 : i32
    %dma_wait3A_548 = arith.constant 0 : i32
    %dma_wait3A_549 = tpu.memref_slice %arg8[%dma_wait3A_546, %dma_wait3A_547, %dma_wait3A_548] : memref<6x128x128xi32, #tpu.memory_space<vmem>> -> memref<1x128x128xi32, #tpu.memory_space<vmem>>
    %dma_wait3A_550 = tpu.memref_squeeze %dma_wait3A_549 : memref<1x128x128xi32, #tpu.memory_space<vmem>> -> memref<128x128xi32, #tpu.memory_space<vmem>>
    %dma_wait3A_551 = arith.constant 0 : i32
    %dma_wait3A_552 = tpu.memref_slice %arg5[%add3A_411, %dma_wait3A_551] : memref<16384x128xi32, #tpu.memory_space<hbm>> -> memref<128x128xi32, #tpu.memory_space<hbm>>
    %dma_wait3A_553 = arith.constant 0 : i32
    %dma_wait3A_554 = tpu.memref_slice %arg5[%add3A_411, %dma_wait3A_553] : memref<16384x128xi32, #tpu.memory_space<hbm>> -> memref<128x128xi32, #tpu.memory_space<hbm>>
    %dma_wait3A_555 = arith.constant 0 : i32
    %dma_wait3A_556 = arith.constant 0 : i32
    %dma_wait3A_557 = tpu.memref_slice %arg8[%dma_wait3A_546, %dma_wait3A_555, %dma_wait3A_556] : memref<6x128x128xi32, #tpu.memory_space<vmem>> -> memref<1x128x128xi32, #tpu.memory_space<vmem>>
    %dma_wait3A_558 = tpu.memref_squeeze %dma_wait3A_557 : memref<1x128x128xi32, #tpu.memory_space<vmem>> -> memref<128x128xi32, #tpu.memory_space<vmem>>
    tpu.wait_dma2 semaphore(%arg16 : memref<!tpu.dma_semaphore, #tpu.memory_space<semaphore_mem>>) src(%dma_wait3A_558 : memref<128x128xi32, #tpu.memory_space<vmem>>) dst(%dma_wait3A_554 : memref<128x128xi32, #tpu.memory_space<hbm>>)
    %dma_wait3A_559 = arith.constant 2 : i32
    %dma_wait3A_560 = arith.constant 0 : i32
    %dma_wait3A_561 = arith.constant 0 : i32
    %dma_wait3A_562 = tpu.memref_slice %arg8[%dma_wait3A_559, %dma_wait3A_560, %dma_wait3A_561] : memref<6x128x128xi32, #tpu.memory_space<vmem>> -> memref<1x128x128xi32, #tpu.memory_space<vmem>>
    %dma_wait3A_563 = tpu.memref_squeeze %dma_wait3A_562 : memref<1x128x128xi32, #tpu.memory_space<vmem>> -> memref<128x128xi32, #tpu.memory_space<vmem>>
    %dma_wait3A_564 = arith.constant 0 : i32
    %dma_wait3A_565 = tpu.memref_slice %arg6[%add3A_438, %dma_wait3A_564] : memref<16384x128xi32, #tpu.memory_space<hbm>> -> memref<128x128xi32, #tpu.memory_space<hbm>>
    %dma_wait3A_566 = arith.constant 0 : i32
    %dma_wait3A_567 = tpu.memref_slice %arg6[%add3A_438, %dma_wait3A_566] : memref<16384x128xi32, #tpu.memory_space<hbm>> -> memref<128x128xi32, #tpu.memory_space<hbm>>
    %dma_wait3A_568 = arith.constant 0 : i32
    %dma_wait3A_569 = arith.constant 0 : i32
    %dma_wait3A_570 = tpu.memref_slice %arg8[%dma_wait3A_559, %dma_wait3A_568, %dma_wait3A_569] : memref<6x128x128xi32, #tpu.memory_space<vmem>> -> memref<1x128x128xi32, #tpu.memory_space<vmem>>
    %dma_wait3A_571 = tpu.memref_squeeze %dma_wait3A_570 : memref<1x128x128xi32, #tpu.memory_space<vmem>> -> memref<128x128xi32, #tpu.memory_space<vmem>>
    tpu.wait_dma2 semaphore(%arg17 : memref<!tpu.dma_semaphore, #tpu.memory_space<semaphore_mem>>) src(%dma_wait3A_571 : memref<128x128xi32, #tpu.memory_space<vmem>>) dst(%dma_wait3A_567 : memref<128x128xi32, #tpu.memory_space<hbm>>)
    %dma_wait3A_572 = arith.constant 3 : i32
    %dma_wait3A_573 = arith.constant 0 : i32
    %dma_wait3A_574 = arith.constant 0 : i32
    %dma_wait3A_575 = tpu.memref_slice %arg8[%dma_wait3A_572, %dma_wait3A_573, %dma_wait3A_574] : memref<6x128x128xi32, #tpu.memory_space<vmem>> -> memref<1x128x128xi32, #tpu.memory_space<vmem>>
    %dma_wait3A_576 = tpu.memref_squeeze %dma_wait3A_575 : memref<1x128x128xi32, #tpu.memory_space<vmem>> -> memref<128x128xi32, #tpu.memory_space<vmem>>
    %dma_wait3A_577 = arith.constant 0 : i32
    %dma_wait3A_578 = tpu.memref_slice %arg6[%add3A_465, %dma_wait3A_577] : memref<16384x128xi32, #tpu.memory_space<hbm>> -> memref<128x128xi32, #tpu.memory_space<hbm>>
    %dma_wait3A_579 = arith.constant 0 : i32
    %dma_wait3A_580 = tpu.memref_slice %arg6[%add3A_465, %dma_wait3A_579] : memref<16384x128xi32, #tpu.memory_space<hbm>> -> memref<128x128xi32, #tpu.memory_space<hbm>>
    %dma_wait3A_581 = arith.constant 0 : i32
    %dma_wait3A_582 = arith.constant 0 : i32
    %dma_wait3A_583 = tpu.memref_slice %arg8[%dma_wait3A_572, %dma_wait3A_581, %dma_wait3A_582] : memref<6x128x128xi32, #tpu.memory_space<vmem>> -> memref<1x128x128xi32, #tpu.memory_space<vmem>>
    %dma_wait3A_584 = tpu.memref_squeeze %dma_wait3A_583 : memref<1x128x128xi32, #tpu.memory_space<vmem>> -> memref<128x128xi32, #tpu.memory_space<vmem>>
    tpu.wait_dma2 semaphore(%arg18 : memref<!tpu.dma_semaphore, #tpu.memory_space<semaphore_mem>>) src(%dma_wait3A_584 : memref<128x128xi32, #tpu.memory_space<vmem>>) dst(%dma_wait3A_580 : memref<128x128xi32, #tpu.memory_space<hbm>>)
    %dma_wait3A_585 = arith.constant 4 : i32
    %dma_wait3A_586 = arith.constant 0 : i32
    %dma_wait3A_587 = arith.constant 0 : i32
    %dma_wait3A_588 = tpu.memref_slice %arg8[%dma_wait3A_585, %dma_wait3A_586, %dma_wait3A_587] : memref<6x128x128xi32, #tpu.memory_space<vmem>> -> memref<1x128x128xi32, #tpu.memory_space<vmem>>
    %dma_wait3A_589 = tpu.memref_squeeze %dma_wait3A_588 : memref<1x128x128xi32, #tpu.memory_space<vmem>> -> memref<128x128xi32, #tpu.memory_space<vmem>>
    %dma_wait3A_590 = arith.constant 0 : i32
    %dma_wait3A_591 = tpu.memref_slice %arg6[%add3A_492, %dma_wait3A_590] : memref<16384x128xi32, #tpu.memory_space<hbm>> -> memref<128x128xi32, #tpu.memory_space<hbm>>
    %dma_wait3A_592 = arith.constant 0 : i32
    %dma_wait3A_593 = tpu.memref_slice %arg6[%add3A_492, %dma_wait3A_592] : memref<16384x128xi32, #tpu.memory_space<hbm>> -> memref<128x128xi32, #tpu.memory_space<hbm>>
    %dma_wait3A_594 = arith.constant 0 : i32
    %dma_wait3A_595 = arith.constant 0 : i32
    %dma_wait3A_596 = tpu.memref_slice %arg8[%dma_wait3A_585, %dma_wait3A_594, %dma_wait3A_595] : memref<6x128x128xi32, #tpu.memory_space<vmem>> -> memref<1x128x128xi32, #tpu.memory_space<vmem>>
    %dma_wait3A_597 = tpu.memref_squeeze %dma_wait3A_596 : memref<1x128x128xi32, #tpu.memory_space<vmem>> -> memref<128x128xi32, #tpu.memory_space<vmem>>
    tpu.wait_dma2 semaphore(%arg19 : memref<!tpu.dma_semaphore, #tpu.memory_space<semaphore_mem>>) src(%dma_wait3A_597 : memref<128x128xi32, #tpu.memory_space<vmem>>) dst(%dma_wait3A_593 : memref<128x128xi32, #tpu.memory_space<hbm>>)
    %dma_wait3A_598 = arith.constant 5 : i32
    %dma_wait3A_599 = arith.constant 0 : i32
    %dma_wait3A_600 = arith.constant 0 : i32
    %dma_wait3A_601 = tpu.memref_slice %arg8[%dma_wait3A_598, %dma_wait3A_599, %dma_wait3A_600] : memref<6x128x128xi32, #tpu.memory_space<vmem>> -> memref<1x128x128xi32, #tpu.memory_space<vmem>>
    %dma_wait3A_602 = tpu.memref_squeeze %dma_wait3A_601 : memref<1x128x128xi32, #tpu.memory_space<vmem>> -> memref<128x128xi32, #tpu.memory_space<vmem>>
    %dma_wait3A_603 = arith.constant 0 : i32
    %dma_wait3A_604 = tpu.memref_slice %arg6[%add3A_519, %dma_wait3A_603] : memref<16384x128xi32, #tpu.memory_space<hbm>> -> memref<128x128xi32, #tpu.memory_space<hbm>>
    %dma_wait3A_605 = arith.constant 0 : i32
    %dma_wait3A_606 = tpu.memref_slice %arg6[%add3A_519, %dma_wait3A_605] : memref<16384x128xi32, #tpu.memory_space<hbm>> -> memref<128x128xi32, #tpu.memory_space<hbm>>
    %dma_wait3A_607 = arith.constant 0 : i32
    %dma_wait3A_608 = arith.constant 0 : i32
    %dma_wait3A_609 = tpu.memref_slice %arg8[%dma_wait3A_598, %dma_wait3A_607, %dma_wait3A_608] : memref<6x128x128xi32, #tpu.memory_space<vmem>> -> memref<1x128x128xi32, #tpu.memory_space<vmem>>
    %dma_wait3A_610 = tpu.memref_squeeze %dma_wait3A_609 : memref<1x128x128xi32, #tpu.memory_space<vmem>> -> memref<128x128xi32, #tpu.memory_space<vmem>>
    tpu.wait_dma2 semaphore(%arg20 : memref<!tpu.dma_semaphore, #tpu.memory_space<semaphore_mem>>) src(%dma_wait3A_610 : memref<128x128xi32, #tpu.memory_space<vmem>>) dst(%dma_wait3A_606 : memref<128x128xi32, #tpu.memory_space<hbm>>)
    return
  }
}

module attributes {stable_mosaic.version = 14 : i64} {
  func.func @_tr_body(%arg0: i32, %arg1: memref<32x8192xf32, #tpu.memory_space<vmem>>, %arg2: memref<32x8192xf32, #tpu.memory_space<vmem>>, %arg3: memref<32x8192xf32, #tpu.memory_space<vmem>>, %arg4: memref<32x8192xf32, #tpu.memory_space<vmem>>, %arg5: memref<32x8192xf32, #tpu.memory_space<vmem>>, %arg6: memref<32x8192xf32, #tpu.memory_space<vmem>>, %arg7: memref<32x8192xf32, #tpu.memory_space<vmem>>, %arg8: memref<32x8192xf32, #tpu.memory_space<vmem>>, %arg9: memref<8192x128xi32, #tpu.memory_space<vmem>>) attributes {dimension_semantics = [#tpu.dimension_semantics<arbitrary>], iteration_bounds = array<i64: 16>, scalar_prefetch = 0 : i64, scratch_operands = 0 : i64, tpu.core_type = #tpu.core_type<tc>, window_params = [{transform_indices = @transform_0, window_bounds = array<i64: 32, 8192>}, {transform_indices = @transform_1, window_bounds = array<i64: 32, 8192>}, {transform_indices = @transform_2, window_bounds = array<i64: 32, 8192>}, {transform_indices = @transform_3, window_bounds = array<i64: 32, 8192>}, {transform_indices = @transform_4, window_bounds = array<i64: 32, 8192>}, {transform_indices = @transform_5, window_bounds = array<i64: 32, 8192>}, {transform_indices = @transform_6, window_bounds = array<i64: 32, 8192>}, {transform_indices = @transform_7, window_bounds = array<i64: 32, 8192>}, {transform_indices = @transform_8, window_bounds = array<i64: 8192, 128>}]} {
    %get3A = arith.constant 0 : index
    %get3A_0 = arith.constant 0 : index
    %get3A_1 = vector.load %arg1[%get3A, %get3A_0] : memref<32x8192xf32, #tpu.memory_space<vmem>>, vector<32x8192xf32>
    %get3A_2 = arith.constant 0 : index
    %get3A_3 = arith.constant 0 : index
    %get3A_4 = vector.load %arg2[%get3A_2, %get3A_3] : memref<32x8192xf32, #tpu.memory_space<vmem>>, vector<32x8192xf32>
    %get3A_5 = arith.constant 0 : index
    %get3A_6 = arith.constant 0 : index
    %get3A_7 = vector.load %arg3[%get3A_5, %get3A_6] : memref<32x8192xf32, #tpu.memory_space<vmem>>, vector<32x8192xf32>
    %get3A_8 = arith.constant 0 : index
    %get3A_9 = arith.constant 0 : index
    %get3A_10 = vector.load %arg4[%get3A_8, %get3A_9] : memref<32x8192xf32, #tpu.memory_space<vmem>>, vector<32x8192xf32>
    %concatenate3A = tpu.concatenate %get3A_1, %get3A_4, %get3A_7, %get3A_10 in 0 : vector<32x8192xf32>, vector<32x8192xf32>, vector<32x8192xf32>, vector<32x8192xf32> -> vector<128x8192xf32>
    %transpose3A = tpu.transpose %concatenate3A, [1, 0] : vector<128x8192xf32> -> vector<8192x128xf32>
    %get3A_11 = arith.constant 0 : index
    %get3A_12 = arith.constant 0 : index
    %get3A_13 = vector.load %arg5[%get3A_11, %get3A_12] : memref<32x8192xf32, #tpu.memory_space<vmem>>, vector<32x8192xf32>
    %get3A_14 = arith.constant 0 : index
    %get3A_15 = arith.constant 0 : index
    %get3A_16 = vector.load %arg6[%get3A_14, %get3A_15] : memref<32x8192xf32, #tpu.memory_space<vmem>>, vector<32x8192xf32>
    %get3A_17 = arith.constant 0 : index
    %get3A_18 = arith.constant 0 : index
    %get3A_19 = vector.load %arg7[%get3A_17, %get3A_18] : memref<32x8192xf32, #tpu.memory_space<vmem>>, vector<32x8192xf32>
    %get3A_20 = arith.constant 0 : index
    %get3A_21 = arith.constant 0 : index
    %get3A_22 = vector.load %arg8[%get3A_20, %get3A_21] : memref<32x8192xf32, #tpu.memory_space<vmem>>, vector<32x8192xf32>
    %concatenate3A_23 = tpu.concatenate %get3A_13, %get3A_16, %get3A_19, %get3A_22 in 0 : vector<32x8192xf32>, vector<32x8192xf32>, vector<32x8192xf32>, vector<32x8192xf32> -> vector<128x8192xf32>
    %transpose3A_24 = tpu.transpose %concatenate3A_23, [1, 0] : vector<128x8192xf32> -> vector<8192x128xf32>
    %bitcast_convert_type3A = tpu.bitcast %transpose3A : vector<8192x128xf32> -> vector<8192x128xi32>
    %shift_right_logical3A = arith.constant 16 : i32
    %shift_right_logical3A_25 = vector.broadcast %shift_right_logical3A : i32 to vector<8192x128xi32>
    %shift_right_logical3A_26 = arith.shrui %bitcast_convert_type3A, %shift_right_logical3A_25 : vector<8192x128xi32>
    %and3A = arith.constant 1 : i32
    %and3A_27 = vector.broadcast %and3A : i32 to vector<8192x128xi32>
    %and3A_28 = arith.andi %shift_right_logical3A_26, %and3A_27 : vector<8192x128xi32>
    %add3A = arith.constant 32767 : i32
    %add3A_29 = vector.broadcast %add3A : i32 to vector<8192x128xi32>
    %add3A_30 = arith.addi %bitcast_convert_type3A, %add3A_29 : vector<8192x128xi32>
    %add3A_31 = arith.addi %add3A_30, %and3A_28 : vector<8192x128xi32>
    %shift_right_logical3A_32 = arith.constant 16 : i32
    %shift_right_logical3A_33 = vector.broadcast %shift_right_logical3A_32 : i32 to vector<8192x128xi32>
    %shift_right_logical3A_34 = arith.shrui %add3A_31, %shift_right_logical3A_33 : vector<8192x128xi32>
    %bitcast_convert_type3A_35 = tpu.bitcast %transpose3A_24 : vector<8192x128xf32> -> vector<8192x128xi32>
    %shift_right_logical3A_36 = arith.constant 16 : i32
    %shift_right_logical3A_37 = vector.broadcast %shift_right_logical3A_36 : i32 to vector<8192x128xi32>
    %shift_right_logical3A_38 = arith.shrui %bitcast_convert_type3A_35, %shift_right_logical3A_37 : vector<8192x128xi32>
    %and3A_39 = arith.constant 1 : i32
    %and3A_40 = vector.broadcast %and3A_39 : i32 to vector<8192x128xi32>
    %and3A_41 = arith.andi %shift_right_logical3A_38, %and3A_40 : vector<8192x128xi32>
    %add3A_42 = arith.constant 32767 : i32
    %add3A_43 = vector.broadcast %add3A_42 : i32 to vector<8192x128xi32>
    %add3A_44 = arith.addi %bitcast_convert_type3A_35, %add3A_43 : vector<8192x128xi32>
    %add3A_45 = arith.addi %add3A_44, %and3A_41 : vector<8192x128xi32>
    %shift_right_logical3A_46 = arith.constant 16 : i32
    %shift_right_logical3A_47 = vector.broadcast %shift_right_logical3A_46 : i32 to vector<8192x128xi32>
    %shift_right_logical3A_48 = arith.shrui %add3A_45, %shift_right_logical3A_47 : vector<8192x128xi32>
    %shift_left3A = arith.constant 16 : i32
    %shift_left3A_49 = vector.broadcast %shift_left3A : i32 to vector<8192x128xi32>
    %shift_left3A_50 = arith.shli %shift_right_logical3A_48, %shift_left3A_49 : vector<8192x128xi32>
    %or3A = arith.ori %shift_left3A_50, %shift_right_logical3A_34 : vector<8192x128xi32>
    %swap3A = arith.constant 0 : index
    %swap3A_51 = arith.constant 0 : index
    %swap3A_52 = vector.load %arg9[%swap3A, %swap3A_51] : memref<8192x128xi32, #tpu.memory_space<vmem>>, vector<8192x128xi32>
    tpu.vector_store %arg9[%swap3A, %swap3A_51], %or3A {strides = array<i32>} : memref<8192x128xi32, #tpu.memory_space<vmem>>, vector<8192x128xi32>,
    return
  }
  func.func @transform_0(%arg0: i32) -> (i32, i32) {
    %add3A = arith.constant 0 : i32
    %add3A_0 = arith.addi %arg0, %add3A : i32
    %min3A = arith.constant 122 : i32
    %min3A_1 = arith.minsi %add3A_0, %min3A : i32
    %c0_i32 = arith.constant 0 : i32
    %c0_i32_2 = arith.constant 0 : i32
    return %c0_i32, %min3A_1 : i32, i32
  }
  func.func @transform_1(%arg0: i32) -> (i32, i32) {
    %add3A = arith.constant 16 : i32
    %add3A_0 = arith.addi %arg0, %add3A : i32
    %min3A = arith.constant 122 : i32
    %min3A_1 = arith.minsi %add3A_0, %min3A : i32
    %c0_i32 = arith.constant 0 : i32
    %c0_i32_2 = arith.constant 0 : i32
    return %c0_i32, %min3A_1 : i32, i32
  }
  func.func @transform_2(%arg0: i32) -> (i32, i32) {
    %add3A = arith.constant 32 : i32
    %add3A_0 = arith.addi %arg0, %add3A : i32
    %min3A = arith.constant 122 : i32
    %min3A_1 = arith.minsi %add3A_0, %min3A : i32
    %c0_i32 = arith.constant 0 : i32
    %c0_i32_2 = arith.constant 0 : i32
    return %c0_i32, %min3A_1 : i32, i32
  }
  func.func @transform_3(%arg0: i32) -> (i32, i32) {
    %add3A = arith.constant 48 : i32
    %add3A_0 = arith.addi %arg0, %add3A : i32
    %min3A = arith.constant 122 : i32
    %min3A_1 = arith.minsi %add3A_0, %min3A : i32
    %c0_i32 = arith.constant 0 : i32
    %c0_i32_2 = arith.constant 0 : i32
    return %c0_i32, %min3A_1 : i32, i32
  }
  func.func @transform_4(%arg0: i32) -> (i32, i32) {
    %add3A = arith.constant 64 : i32
    %add3A_0 = arith.addi %arg0, %add3A : i32
    %min3A = arith.constant 122 : i32
    %min3A_1 = arith.minsi %add3A_0, %min3A : i32
    %c0_i32 = arith.constant 0 : i32
    %c0_i32_2 = arith.constant 0 : i32
    return %c0_i32, %min3A_1 : i32, i32
  }
  func.func @transform_5(%arg0: i32) -> (i32, i32) {
    %add3A = arith.constant 80 : i32
    %add3A_0 = arith.addi %arg0, %add3A : i32
    %min3A = arith.constant 122 : i32
    %min3A_1 = arith.minsi %add3A_0, %min3A : i32
    %c0_i32 = arith.constant 0 : i32
    %c0_i32_2 = arith.constant 0 : i32
    return %c0_i32, %min3A_1 : i32, i32
  }
  func.func @transform_6(%arg0: i32) -> (i32, i32) {
    %add3A = arith.constant 96 : i32
    %add3A_0 = arith.addi %arg0, %add3A : i32
    %min3A = arith.constant 122 : i32
    %min3A_1 = arith.minsi %add3A_0, %min3A : i32
    %c0_i32 = arith.constant 0 : i32
    %c0_i32_2 = arith.constant 0 : i32
    return %c0_i32, %min3A_1 : i32, i32
  }
  func.func @transform_7(%arg0: i32) -> (i32, i32) {
    %add3A = arith.constant 112 : i32
    %add3A_0 = arith.addi %arg0, %add3A : i32
    %min3A = arith.constant 122 : i32
    %min3A_1 = arith.minsi %add3A_0, %min3A : i32
    %c0_i32 = arith.constant 0 : i32
    %c0_i32_2 = arith.constant 0 : i32
    return %c0_i32, %min3A_1 : i32, i32
  }
  func.func @transform_8(%arg0: i32) -> (i32, i32) {
    %c0_i32 = arith.constant 0 : i32
    %c0_i32_0 = arith.constant 0 : i32
    return %arg0, %c0_i32 : i32, i32
  }
}

module attributes {stable_mosaic.version = 14 : i64} {
  func.func @_mlp_body(%arg0: i32, %arg1: memref<4096x128xi32, #tpu.memory_space<vmem>>, %arg2: memref<4096x128xi32, #tpu.memory_space<vmem>>, %arg3: memref<4096x128xi32, #tpu.memory_space<vmem>>, %arg4: memref<4096x128xi32, #tpu.memory_space<vmem>>, %arg5: memref<4096x4xi32, #tpu.memory_space<vmem>>, %arg6: memref<128x256xf32, #tpu.memory_space<vmem>>, %arg7: memref<1x256xf32, #tpu.memory_space<vmem>>, %arg8: memref<256x64xf32, #tpu.memory_space<vmem>>, %arg9: memref<1x64xf32, #tpu.memory_space<vmem>>, %arg10: memref<64x4096xf32, #tpu.memory_space<vmem>>) attributes {dimension_semantics = [#tpu.dimension_semantics<arbitrary>], iteration_bounds = array<i64: 4>, scalar_prefetch = 0 : i64, scratch_operands = 0 : i64, tpu.core_type = #tpu.core_type<tc>, window_params = [{transform_indices = @transform_0, window_bounds = array<i64: 4096, 128>}, {transform_indices = @transform_1, window_bounds = array<i64: 4096, 128>}, {transform_indices = @transform_2, window_bounds = array<i64: 4096, 128>}, {transform_indices = @transform_3, window_bounds = array<i64: 4096, 128>}, {transform_indices = @transform_4, window_bounds = array<i64: 4096, 4>}, {pipeline_mode = #tpu.pipeline_mode<synchronous>, transform_indices = @transform_5, window_bounds = array<i64: 128, 256>}, {pipeline_mode = #tpu.pipeline_mode<synchronous>, transform_indices = @transform_6, window_bounds = array<i64: 1, 256>}, {pipeline_mode = #tpu.pipeline_mode<synchronous>, transform_indices = @transform_7, window_bounds = array<i64: 256, 64>}, {pipeline_mode = #tpu.pipeline_mode<synchronous>, transform_indices = @transform_8, window_bounds = array<i64: 1, 64>}, {transform_indices = @transform_9, window_bounds = array<i64: 64, 4096>}]} {
    %get3A = arith.constant 0 : index
    %get3A_0 = arith.constant 0 : index
    %get3A_1 = vector.load %arg5[%get3A, %get3A_0] : memref<4096x4xi32, #tpu.memory_space<vmem>>, vector<4096x4xi32>
    %iota3A = tpu.iota {dimensions = array<i32: 1>} : vector<1x128xi32>
    %jit3A = arith.constant 32 : i32
    %div3A = vector.broadcast %jit3A : i32 to vector<1x128xi32>
    %div3A_2 = arith.divsi %iota3A, %div3A : vector<1x128xi32>
    %sign3A = arith.constant 0 : i32
    %sign3A_3 = vector.broadcast %sign3A : i32 to vector<1x128xi32>
    %sign3A_4 = arith.cmpi sgt, %iota3A, %sign3A_3 : vector<1x128xi32>
    %sign3A_5 = arith.extui %sign3A_4 : vector<1x128xi1> to vector<1x128xi32>
    %sign3A_6 = arith.constant 0 : i32
    %sign3A_7 = vector.broadcast %sign3A_6 : i32 to vector<1x128xi32>
    %sign3A_8 = arith.cmpi slt, %iota3A, %sign3A_7 : vector<1x128xi32>
    %sign3A_9 = arith.extui %sign3A_8 : vector<1x128xi1> to vector<1x128xi32>
    %sign3A_10 = arith.subi %sign3A_5, %sign3A_9 : vector<1x128xi32>
    %sign3A_11 = arith.constant 0 : i32
    %sign3A_12 = arith.cmpi sgt, %jit3A, %sign3A_11 : i32
    %sign3A_13 = arith.extui %sign3A_12 : i1 to i32
    %sign3A_14 = arith.constant 0 : i32
    %sign3A_15 = arith.cmpi slt, %jit3A, %sign3A_14 : i32
    %sign3A_16 = arith.extui %sign3A_15 : i1 to i32
    %sign3A_17 = arith.subi %sign3A_13, %sign3A_16 : i32
    %ne3A = vector.broadcast %sign3A_17 : i32 to vector<1x128xi32>
    %ne3A_18 = arith.cmpi ne, %sign3A_10, %ne3A : vector<1x128xi32>
    %rem3A = vector.broadcast %jit3A : i32 to vector<1x128xi32>
    %rem3A_19 = arith.remsi %iota3A, %rem3A : vector<1x128xi32>
    %ne3A_20 = arith.constant 0 : i32
    %ne3A_21 = vector.broadcast %ne3A_20 : i32 to vector<1x128xi32>
    %ne3A_22 = arith.cmpi ne, %rem3A_19, %ne3A_21 : vector<1x128xi32>
    %and3A = arith.andi %ne3A_18, %ne3A_22 : vector<1x128xi1>
    %sub3A = arith.constant 1 : i32
    %sub3A_23 = vector.broadcast %sub3A : i32 to vector<1x128xi32>
    %sub3A_24 = arith.subi %div3A_2, %sub3A_23 : vector<1x128xi32>
    %select_n3A = arith.select %and3A, %sub3A_24, %div3A_2 : vector<1x128xi1>, vector<1x128xi32>
    %get3A_25 = arith.constant 0 : index
    %get3A_26 = arith.constant 0 : index
    %get3A_27 = vector.load %arg7[%get3A_25, %get3A_26] : memref<1x256xf32, #tpu.memory_space<vmem>>, vector<1x256xf32>
    %slice3A = vector.extract_strided_slice %get3A_1 {offsets = [0, 0], sizes = [4096, 1], strides = [1, 1]} : vector<4096x4xi32> to vector<4096x1xi32>
    %shift_right_logical3A = arith.constant 17 : i32
    %shift_right_logical3A_28 = vector.broadcast %shift_right_logical3A : i32 to vector<4096x1xi32>
    %shift_right_logical3A_29 = arith.shrui %slice3A, %shift_right_logical3A_28 : vector<4096x1xi32>
    %ge3A = arith.constant 4 : i32
    %ge3A_30 = vector.broadcast %ge3A : i32 to vector<4096x1xi32>
    %ge3A_31 = arith.cmpi sge, %shift_right_logical3A_29, %ge3A_30 : vector<4096x1xi32>
    %and3A_32 = arith.constant 3 : i32
    %and3A_33 = vector.broadcast %and3A_32 : i32 to vector<4096x1xi32>
    %and3A_34 = arith.andi %shift_right_logical3A_29, %and3A_33 : vector<4096x1xi32>
    %get3A_35 = arith.constant 0 : index
    %get3A_36 = arith.constant 0 : index
    %get3A_37 = vector.load %arg1[%get3A_35, %get3A_36] : memref<4096x128xi32, #tpu.memory_space<vmem>>, vector<4096x128xi32>
    %shift_left3A = arith.constant 16 : i32
    %shift_left3A_38 = vector.broadcast %shift_left3A : i32 to vector<4096x128xi32>
    %shift_left3A_39 = arith.shli %get3A_37, %shift_left3A_38 : vector<4096x128xi32>
    %bitcast_convert_type3A = tpu.bitcast %shift_left3A_39 : vector<4096x128xi32> -> vector<4096x128xf32>
    %and3A_40 = arith.constant -65536 : i32
    %and3A_41 = vector.broadcast %and3A_40 : i32 to vector<4096x128xi32>
    %and3A_42 = arith.andi %get3A_37, %and3A_41 : vector<4096x128xi32>
    %bitcast_convert_type3A_43 = tpu.bitcast %and3A_42 : vector<4096x128xi32> -> vector<4096x128xf32>
    %broadcast_in_dim3A = vector.shape_cast %ge3A_31 : vector<4096x1xi1> to vector<4096x1xi1>
    %broadcast_in_dim3A_44 = vector.broadcast %broadcast_in_dim3A : vector<4096x1xi1> to vector<4096x128xi1>
    %select_n3A_45 = arith.select %broadcast_in_dim3A_44, %bitcast_convert_type3A_43, %bitcast_convert_type3A : vector<4096x128xi1>, vector<4096x128xf32>
    %eq3A = vector.broadcast %and3A_34 : vector<4096x1xi32> to vector<4096x128xi32>
    %eq3A_46 = vector.broadcast %select_n3A : vector<1x128xi32> to vector<4096x128xi32>
    %eq3A_47 = arith.cmpi eq, %eq3A, %eq3A_46 : vector<4096x128xi32>
    %convert_element_type3A = arith.extui %eq3A_47 : vector<4096x128xi1> to vector<4096x128xi32>
    %convert_element_type3A_48 = arith.sitofp %convert_element_type3A : vector<4096x128xi32> to vector<4096x128xf32>
    %get3A_49 = arith.constant 0 : index
    %get3A_50 = arith.constant 0 : index
    %get3A_51 = vector.load %arg6[%get3A_49, %get3A_50] : memref<128x256xf32, #tpu.memory_space<vmem>>, vector<32x256xf32>
    %concatenate3A = tpu.concatenate %get3A_51, %get3A_51, %get3A_51, %get3A_51 in 0 : vector<32x256xf32>, vector<32x256xf32>, vector<32x256xf32>, vector<32x256xf32> -> vector<128x256xf32>
    %mul3A = arith.mulf %select_n3A_45, %convert_element_type3A_48 : vector<4096x128xf32>
    %dot_general3A = arith.constant dense<0.000000e+00> : vector<4096x256xf32>
    %dot_general3A_52 = tpu.matmul %mul3A, %concatenate3A, %dot_general3A {dimension_numbers = #tpu.dot_dimension_numbers<[1], [0], [0], [1], [0, 0, 1, 1], [], []>, transpose_lhs_hint = false} : vector<4096x128xf32>, vector<128x256xf32>, vector<4096x256xf32> -> vector<4096x256xf32>
    %add3A = vector.broadcast %get3A_27 : vector<1x256xf32> to vector<4096x256xf32>
    %add3A_53 = arith.addf %add3A, %dot_general3A_52 : vector<4096x256xf32>
    %slice3A_54 = vector.extract_strided_slice %get3A_1 {offsets = [0, 1], sizes = [4096, 1], strides = [1, 1]} : vector<4096x4xi32> to vector<4096x1xi32>
    %shift_right_logical3A_55 = arith.constant 17 : i32
    %shift_right_logical3A_56 = vector.broadcast %shift_right_logical3A_55 : i32 to vector<4096x1xi32>
    %shift_right_logical3A_57 = arith.shrui %slice3A_54, %shift_right_logical3A_56 : vector<4096x1xi32>
    %ge3A_58 = arith.constant 4 : i32
    %ge3A_59 = vector.broadcast %ge3A_58 : i32 to vector<4096x1xi32>
    %ge3A_60 = arith.cmpi sge, %shift_right_logical3A_57, %ge3A_59 : vector<4096x1xi32>
    %and3A_61 = arith.constant 3 : i32
    %and3A_62 = vector.broadcast %and3A_61 : i32 to vector<4096x1xi32>
    %and3A_63 = arith.andi %shift_right_logical3A_57, %and3A_62 : vector<4096x1xi32>
    %get3A_64 = arith.constant 0 : index
    %get3A_65 = arith.constant 0 : index
    %get3A_66 = vector.load %arg2[%get3A_64, %get3A_65] : memref<4096x128xi32, #tpu.memory_space<vmem>>, vector<4096x128xi32>
    %shift_left3A_67 = arith.constant 16 : i32
    %shift_left3A_68 = vector.broadcast %shift_left3A_67 : i32 to vector<4096x128xi32>
    %shift_left3A_69 = arith.shli %get3A_66, %shift_left3A_68 : vector<4096x128xi32>
    %bitcast_convert_type3A_70 = tpu.bitcast %shift_left3A_69 : vector<4096x128xi32> -> vector<4096x128xf32>
    %and3A_71 = arith.constant -65536 : i32
    %and3A_72 = vector.broadcast %and3A_71 : i32 to vector<4096x128xi32>
    %and3A_73 = arith.andi %get3A_66, %and3A_72 : vector<4096x128xi32>
    %bitcast_convert_type3A_74 = tpu.bitcast %and3A_73 : vector<4096x128xi32> -> vector<4096x128xf32>
    %broadcast_in_dim3A_75 = vector.shape_cast %ge3A_60 : vector<4096x1xi1> to vector<4096x1xi1>
    %broadcast_in_dim3A_76 = vector.broadcast %broadcast_in_dim3A_75 : vector<4096x1xi1> to vector<4096x128xi1>
    %select_n3A_77 = arith.select %broadcast_in_dim3A_76, %bitcast_convert_type3A_74, %bitcast_convert_type3A_70 : vector<4096x128xi1>, vector<4096x128xf32>
    %eq3A_78 = vector.broadcast %and3A_63 : vector<4096x1xi32> to vector<4096x128xi32>
    %eq3A_79 = vector.broadcast %select_n3A : vector<1x128xi32> to vector<4096x128xi32>
    %eq3A_80 = arith.cmpi eq, %eq3A_78, %eq3A_79 : vector<4096x128xi32>
    %convert_element_type3A_81 = arith.extui %eq3A_80 : vector<4096x128xi1> to vector<4096x128xi32>
    %convert_element_type3A_82 = arith.sitofp %convert_element_type3A_81 : vector<4096x128xi32> to vector<4096x128xf32>
    %get3A_83 = arith.constant 32 : index
    %get3A_84 = arith.constant 0 : index
    %get3A_85 = vector.load %arg6[%get3A_83, %get3A_84] : memref<128x256xf32, #tpu.memory_space<vmem>>, vector<32x256xf32>
    %concatenate3A_86 = tpu.concatenate %get3A_85, %get3A_85, %get3A_85, %get3A_85 in 0 : vector<32x256xf32>, vector<32x256xf32>, vector<32x256xf32>, vector<32x256xf32> -> vector<128x256xf32>
    %mul3A_87 = arith.mulf %select_n3A_77, %convert_element_type3A_82 : vector<4096x128xf32>
    %dot_general3A_88 = arith.constant dense<0.000000e+00> : vector<4096x256xf32>
    %dot_general3A_89 = tpu.matmul %mul3A_87, %concatenate3A_86, %dot_general3A_88 {dimension_numbers = #tpu.dot_dimension_numbers<[1], [0], [0], [1], [0, 0, 1, 1], [], []>, transpose_lhs_hint = false} : vector<4096x128xf32>, vector<128x256xf32>, vector<4096x256xf32> -> vector<4096x256xf32>
    %add3A_90 = arith.addf %add3A_53, %dot_general3A_89 : vector<4096x256xf32>
    %slice3A_91 = vector.extract_strided_slice %get3A_1 {offsets = [0, 2], sizes = [4096, 1], strides = [1, 1]} : vector<4096x4xi32> to vector<4096x1xi32>
    %shift_right_logical3A_92 = arith.constant 17 : i32
    %shift_right_logical3A_93 = vector.broadcast %shift_right_logical3A_92 : i32 to vector<4096x1xi32>
    %shift_right_logical3A_94 = arith.shrui %slice3A_91, %shift_right_logical3A_93 : vector<4096x1xi32>
    %ge3A_95 = arith.constant 4 : i32
    %ge3A_96 = vector.broadcast %ge3A_95 : i32 to vector<4096x1xi32>
    %ge3A_97 = arith.cmpi sge, %shift_right_logical3A_94, %ge3A_96 : vector<4096x1xi32>
    %and3A_98 = arith.constant 3 : i32
    %and3A_99 = vector.broadcast %and3A_98 : i32 to vector<4096x1xi32>
    %and3A_100 = arith.andi %shift_right_logical3A_94, %and3A_99 : vector<4096x1xi32>
    %get3A_101 = arith.constant 0 : index
    %get3A_102 = arith.constant 0 : index
    %get3A_103 = vector.load %arg3[%get3A_101, %get3A_102] : memref<4096x128xi32, #tpu.memory_space<vmem>>, vector<4096x128xi32>
    %shift_left3A_104 = arith.constant 16 : i32
    %shift_left3A_105 = vector.broadcast %shift_left3A_104 : i32 to vector<4096x128xi32>
    %shift_left3A_106 = arith.shli %get3A_103, %shift_left3A_105 : vector<4096x128xi32>
    %bitcast_convert_type3A_107 = tpu.bitcast %shift_left3A_106 : vector<4096x128xi32> -> vector<4096x128xf32>
    %and3A_108 = arith.constant -65536 : i32
    %and3A_109 = vector.broadcast %and3A_108 : i32 to vector<4096x128xi32>
    %and3A_110 = arith.andi %get3A_103, %and3A_109 : vector<4096x128xi32>
    %bitcast_convert_type3A_111 = tpu.bitcast %and3A_110 : vector<4096x128xi32> -> vector<4096x128xf32>
    %broadcast_in_dim3A_112 = vector.shape_cast %ge3A_97 : vector<4096x1xi1> to vector<4096x1xi1>
    %broadcast_in_dim3A_113 = vector.broadcast %broadcast_in_dim3A_112 : vector<4096x1xi1> to vector<4096x128xi1>
    %select_n3A_114 = arith.select %broadcast_in_dim3A_113, %bitcast_convert_type3A_111, %bitcast_convert_type3A_107 : vector<4096x128xi1>, vector<4096x128xf32>
    %eq3A_115 = vector.broadcast %and3A_100 : vector<4096x1xi32> to vector<4096x128xi32>
    %eq3A_116 = vector.broadcast %select_n3A : vector<1x128xi32> to vector<4096x128xi32>
    %eq3A_117 = arith.cmpi eq, %eq3A_115, %eq3A_116 : vector<4096x128xi32>
    %convert_element_type3A_118 = arith.extui %eq3A_117 : vector<4096x128xi1> to vector<4096x128xi32>
    %convert_element_type3A_119 = arith.sitofp %convert_element_type3A_118 : vector<4096x128xi32> to vector<4096x128xf32>
    %get3A_120 = arith.constant 64 : index
    %get3A_121 = arith.constant 0 : index
    %get3A_122 = vector.load %arg6[%get3A_120, %get3A_121] : memref<128x256xf32, #tpu.memory_space<vmem>>, vector<32x256xf32>
    %concatenate3A_123 = tpu.concatenate %get3A_122, %get3A_122, %get3A_122, %get3A_122 in 0 : vector<32x256xf32>, vector<32x256xf32>, vector<32x256xf32>, vector<32x256xf32> -> vector<128x256xf32>
    %mul3A_124 = arith.mulf %select_n3A_114, %convert_element_type3A_119 : vector<4096x128xf32>
    %dot_general3A_125 = arith.constant dense<0.000000e+00> : vector<4096x256xf32>
    %dot_general3A_126 = tpu.matmul %mul3A_124, %concatenate3A_123, %dot_general3A_125 {dimension_numbers = #tpu.dot_dimension_numbers<[1], [0], [0], [1], [0, 0, 1, 1], [], []>, transpose_lhs_hint = false} : vector<4096x128xf32>, vector<128x256xf32>, vector<4096x256xf32> -> vector<4096x256xf32>
    %add3A_127 = arith.addf %add3A_90, %dot_general3A_126 : vector<4096x256xf32>
    %slice3A_128 = vector.extract_strided_slice %get3A_1 {offsets = [0, 3], sizes = [4096, 1], strides = [1, 1]} : vector<4096x4xi32> to vector<4096x1xi32>
    %shift_right_logical3A_129 = arith.constant 17 : i32
    %shift_right_logical3A_130 = vector.broadcast %shift_right_logical3A_129 : i32 to vector<4096x1xi32>
    %shift_right_logical3A_131 = arith.shrui %slice3A_128, %shift_right_logical3A_130 : vector<4096x1xi32>
    %ge3A_132 = arith.constant 4 : i32
    %ge3A_133 = vector.broadcast %ge3A_132 : i32 to vector<4096x1xi32>
    %ge3A_134 = arith.cmpi sge, %shift_right_logical3A_131, %ge3A_133 : vector<4096x1xi32>
    %and3A_135 = arith.constant 3 : i32
    %and3A_136 = vector.broadcast %and3A_135 : i32 to vector<4096x1xi32>
    %and3A_137 = arith.andi %shift_right_logical3A_131, %and3A_136 : vector<4096x1xi32>
    %get3A_138 = arith.constant 0 : index
    %get3A_139 = arith.constant 0 : index
    %get3A_140 = vector.load %arg4[%get3A_138, %get3A_139] : memref<4096x128xi32, #tpu.memory_space<vmem>>, vector<4096x128xi32>
    %shift_left3A_141 = arith.constant 16 : i32
    %shift_left3A_142 = vector.broadcast %shift_left3A_141 : i32 to vector<4096x128xi32>
    %shift_left3A_143 = arith.shli %get3A_140, %shift_left3A_142 : vector<4096x128xi32>
    %bitcast_convert_type3A_144 = tpu.bitcast %shift_left3A_143 : vector<4096x128xi32> -> vector<4096x128xf32>
    %and3A_145 = arith.constant -65536 : i32
    %and3A_146 = vector.broadcast %and3A_145 : i32 to vector<4096x128xi32>
    %and3A_147 = arith.andi %get3A_140, %and3A_146 : vector<4096x128xi32>
    %bitcast_convert_type3A_148 = tpu.bitcast %and3A_147 : vector<4096x128xi32> -> vector<4096x128xf32>
    %broadcast_in_dim3A_149 = vector.shape_cast %ge3A_134 : vector<4096x1xi1> to vector<4096x1xi1>
    %broadcast_in_dim3A_150 = vector.broadcast %broadcast_in_dim3A_149 : vector<4096x1xi1> to vector<4096x128xi1>
    %select_n3A_151 = arith.select %broadcast_in_dim3A_150, %bitcast_convert_type3A_148, %bitcast_convert_type3A_144 : vector<4096x128xi1>, vector<4096x128xf32>
    %eq3A_152 = vector.broadcast %and3A_137 : vector<4096x1xi32> to vector<4096x128xi32>
    %eq3A_153 = vector.broadcast %select_n3A : vector<1x128xi32> to vector<4096x128xi32>
    %eq3A_154 = arith.cmpi eq, %eq3A_152, %eq3A_153 : vector<4096x128xi32>
    %convert_element_type3A_155 = arith.extui %eq3A_154 : vector<4096x128xi1> to vector<4096x128xi32>
    %convert_element_type3A_156 = arith.sitofp %convert_element_type3A_155 : vector<4096x128xi32> to vector<4096x128xf32>
    %get3A_157 = arith.constant 96 : index
    %get3A_158 = arith.constant 0 : index
    %get3A_159 = vector.load %arg6[%get3A_157, %get3A_158] : memref<128x256xf32, #tpu.memory_space<vmem>>, vector<32x256xf32>
    %concatenate3A_160 = tpu.concatenate %get3A_159, %get3A_159, %get3A_159, %get3A_159 in 0 : vector<32x256xf32>, vector<32x256xf32>, vector<32x256xf32>, vector<32x256xf32> -> vector<128x256xf32>
    %mul3A_161 = arith.mulf %select_n3A_151, %convert_element_type3A_156 : vector<4096x128xf32>
    %dot_general3A_162 = arith.constant dense<0.000000e+00> : vector<4096x256xf32>
    %dot_general3A_163 = tpu.matmul %mul3A_161, %concatenate3A_160, %dot_general3A_162 {dimension_numbers = #tpu.dot_dimension_numbers<[1], [0], [0], [1], [0, 0, 1, 1], [], []>, transpose_lhs_hint = false} : vector<4096x128xf32>, vector<128x256xf32>, vector<4096x256xf32> -> vector<4096x256xf32>
    %add3A_164 = arith.addf %add3A_127, %dot_general3A_163 : vector<4096x256xf32>
    %max3A = arith.constant 0.000000e+00 : f32
    %max3A_165 = vector.broadcast %max3A : f32 to vector<4096x256xf32>
    %max3A_166 = arith.maximumf %add3A_164, %max3A_165 : vector<4096x256xf32>
    %get3A_167 = arith.constant 0 : index
    %get3A_168 = arith.constant 0 : index
    %get3A_169 = vector.load %arg8[%get3A_167, %get3A_168] : memref<256x64xf32, #tpu.memory_space<vmem>>, vector<256x64xf32>
    %dot_general3A_170 = arith.constant dense<0.000000e+00> : vector<4096x64xf32>
    %dot_general3A_171 = tpu.matmul %max3A_166, %get3A_169, %dot_general3A_170 {dimension_numbers = #tpu.dot_dimension_numbers<[1], [0], [0], [1], [0, 0, 1, 1], [], []>, transpose_lhs_hint = false} : vector<4096x256xf32>, vector<256x64xf32>, vector<4096x64xf32> -> vector<4096x64xf32>
    %get3A_172 = arith.constant 0 : index
    %get3A_173 = arith.constant 0 : index
    %get3A_174 = vector.load %arg9[%get3A_172, %get3A_173] : memref<1x64xf32, #tpu.memory_space<vmem>>, vector<1x64xf32>
    %add3A_175 = vector.broadcast %get3A_174 : vector<1x64xf32> to vector<4096x64xf32>
    %add3A_176 = arith.addf %dot_general3A_171, %add3A_175 : vector<4096x64xf32>
    %transpose3A = tpu.transpose %add3A_176, [1, 0] : vector<4096x64xf32> -> vector<64x4096xf32>
    %swap3A = arith.constant 0 : index
    %swap3A_177 = arith.constant 0 : index
    %swap3A_178 = vector.load %arg10[%swap3A, %swap3A_177] : memref<64x4096xf32, #tpu.memory_space<vmem>>, vector<64x4096xf32>
    tpu.vector_store %arg10[%swap3A, %swap3A_177], %transpose3A {strides = array<i32>} : memref<64x4096xf32, #tpu.memory_space<vmem>>, vector<64x4096xf32>,
    return
  }
  func.func @transform_0(%arg0: i32) -> (i32, i32) {
    %c0_i32 = arith.constant 0 : i32
    %c0_i32_0 = arith.constant 0 : i32
    return %arg0, %c0_i32 : i32, i32
  }
  func.func @transform_1(%arg0: i32) -> (i32, i32) {
    %c0_i32 = arith.constant 0 : i32
    %c0_i32_0 = arith.constant 0 : i32
    return %arg0, %c0_i32 : i32, i32
  }
  func.func @transform_2(%arg0: i32) -> (i32, i32) {
    %c0_i32 = arith.constant 0 : i32
    %c0_i32_0 = arith.constant 0 : i32
    return %arg0, %c0_i32 : i32, i32
  }
  func.func @transform_3(%arg0: i32) -> (i32, i32) {
    %c0_i32 = arith.constant 0 : i32
    %c0_i32_0 = arith.constant 0 : i32
    return %arg0, %c0_i32 : i32, i32
  }
  func.func @transform_4(%arg0: i32) -> (i32, i32) {
    %c0_i32 = arith.constant 0 : i32
    %c0_i32_0 = arith.constant 0 : i32
    return %arg0, %c0_i32 : i32, i32
  }
  func.func @transform_5(%arg0: i32) -> (i32, i32) {
    %c0_i32 = arith.constant 0 : i32
    %c0_i32_0 = arith.constant 0 : i32
    %c0_i32_1 = arith.constant 0 : i32
    return %c0_i32, %c0_i32_0 : i32, i32
  }
  func.func @transform_6(%arg0: i32) -> (i32, i32) {
    %c0_i32 = arith.constant 0 : i32
    %c0_i32_0 = arith.constant 0 : i32
    %c0_i32_1 = arith.constant 0 : i32
    return %c0_i32, %c0_i32_0 : i32, i32
  }
  func.func @transform_7(%arg0: i32) -> (i32, i32) {
    %c0_i32 = arith.constant 0 : i32
    %c0_i32_0 = arith.constant 0 : i32
    %c0_i32_1 = arith.constant 0 : i32
    return %c0_i32, %c0_i32_0 : i32, i32
  }
  func.func @transform_8(%arg0: i32) -> (i32, i32) {
    %c0_i32 = arith.constant 0 : i32
    %c0_i32_0 = arith.constant 0 : i32
    %c0_i32_1 = arith.constant 0 : i32
    return %c0_i32, %c0_i32_0 : i32, i32
  }
  func.func @transform_9(%arg0: i32) -> (i32, i32) {
    %c0_i32 = arith.constant 0 : i32
    %c0_i32_0 = arith.constant 0 : i32
    return %c0_i32, %arg0 : i32, i32
  }
}

</mosaic_0001>

<sc_bundles>
// kernel: kernel.10.cloned.1.call-start
scs
__scs_entry_jumppad:
0x0: {  	(pc) =	sbr.rel $0x88, $3  }
0x1: {  	(tag) =	ssettag $0x0;
	lr =	simm.s32 $0x1  }
0x2: {  	[smem:$0x3F9A] =	sst lr;
	_ =	strace $0xD0000000  }
0x3: {  	_ = 	snop  }
0x4: {  	_ = 	snop  }
0x5: {  	_ = 	snop  }
0x6: {  	_ = 	snop  }
0x7: {  	_ = 	snop  }
__scs_overlays_trampoline_lowered:
0x8: {  	[smem:$0x3FA9] =	sst s0  }
0x9: {  	[smem:$0x3FAA] =	sst s1  }
0xa: {  	[smem:$0x3FAB] =	sst s2  }
0xb: {  	[smem:$0x3FAC] =	sst s3  }
0xc: {  	[smem:$0x3FAD] =	sst s4  }
0xd: {  	[smem:$0x3FAE] =	sst s5  }
0xe: {  	[smem:$0x3FAF] =	sst s6  }
0xf: {  	[smem:$0x3FB0] =	sst s7  }
0x10: {  	[smem:$0x3FB1] =	sst s8  }
0x11: {  	[smem:$0x3FB2] =	sst s9;
	s0 =	simm.s32 @!p0 $0x0  }
0x12: {  	s1 =	sld [smem:$0x3F98];
	s0 =	simm.s32 @p0 $0x1  }
0x13: {  	[smem:$0x3FB3] =	sst s0;
	s0 =	simm.s32 @!p1 $0x0  }
0x14: {  	s2 =	sld [smem:$0x3F97];
	s0 =	simm.s32 @p1 $0x1  }
0x15: {  	[smem:$0x3FB4] =	sst s0;
	s0 =	simm.s32 @!p2 $0x0  }
0x16: {  	s3 =	sld [smem:$0x3FDB];
	s0 =	simm.s32 @p2 $0x1  }
0x17: {  	s4 =	simm.s32 $0x1BF5;
	[smem:$0x3FB6] =	sst s0  }
0x18: {  	s0 =	sld [smem:$0x3F99];
	_ =	swait.ge [sflag:s4], $0x0  }
0x19: {  	s7 =	sld [smem:$0x3F9A]  }
0x1a: {  	s8 =	sadd.s32 $0xFFFFE003, lr  }
0x1b: {  	s9 =	sadd.s32 $0xFFFFFEF7, lr;
	s5 =	simm.s32 $0xFFFFFFFF;
	p2 =	slt.u32 s8, $0xFFFFF086  }
0x1c: {  	p1 =	slt.u32 s9, $0xF7A;
	s5 =	simm.s32 @!p2 $0x0  }
0x1d: {  	s5 =	simm.s32 @p1 $0x1;
	p0 =	seq.s32 s7, s2  }
0x1e: {  	s7 =	smul.u32 @!p0 $0xF7A, s2;
	p2 =	seq.s32 @!p0 s5, $0x0  }
0x1f: {  	s9 =	smul.u32 $0xF7A, s1;
	s8 =	simm.s32 @!p0 $0x1BF5;
	p2 =	por !p2, p0  }
0x20: {  	[sflag:s8] =	ssyncset.s32 @!p0 $0xFFFFF086;
	s6 =	sadd.s32 @!p0 s3, s7;
	s7 =	simm.s32 @!p0 $0x108  }
0x21: {  	s3 =	sadd.s32 s3, s9;
	s6 =	sadd.s32 @!p0 $0x88, s6;
	s7 =	simm.s32 @p2 $0x1082  }
0x22: {  	[simem:s7], [sflag:s8] =	dma.local @!p0 [hbm:s6], $0xF7A  }
0x23: {  	s9 =	sor.u32 $0xD0000000, s2;
	s6 =	simm.s32 $0x108;
	_ =	swait.ge @!p0 [sflag:s8], $0x0  }
0x24: {  	s3 =	sadd.s32 $0x88, s3;
	s6 =	simm.s32 @!p1 $0x1082;
	[sflag:s4] =	ssyncset.s32 $0xFFFFF086  }
0x25: {  	[simem:s6], [sflag:s4] =	dma.local [hbm:s3], $0xF7A  }
0x26: {  	[smem:$0x3F9A] =	sst s1;
	(tag) =	ssettag s2;
	_ =	strace s9  }
0x27: {  	s1 =	sld [smem:$0x3FAA]  }
0x28: {  	s2 =	sld [smem:$0x3FAB]  }
0x29: {  	s4 =	sld [smem:$0x3FAD]  }
0x2a: {  	p0 =	seq.s32 s5, $0x0;
	s5 =	sld [smem:$0x3FAE]  }
0x2b: {  	s6 =	sld [smem:$0x3FAF]  }
0x2c: {  	s7 =	sld [smem:$0x3FB0]  }
0x2d: {  	s3 =	simm.s32 $0x108;
	s8 =	sld [smem:$0x3FB1]  }
0x2e: {  	s3 =	simm.s32 @!p0 $0x1082;
	s9 =	sld [smem:$0x3FB2]  }
0x2f: {  	lr =	sadd.s32 s0, s3;
	s0 =	sld [smem:$0x3FA9]  }
0x30: {  	s3 =	sld [smem:$0x3FAC]  }
0x31: {  	[smem:$0x3FB5] =	sst s10  }
0x32: {  	s10 =	sld [smem:$0x3FB3];
	_ =	sdelay $0x3  }
0x33: {  	p0 =	seq.s32 s10, $0x1;
	s10 =	sld [smem:$0x3FB5];
	_ =	sdelay $0x3  }
0x34: {  	[smem:$0x3FB5] =	sst s10  }
0x35: {  	s10 =	sld [smem:$0x3FB4];
	_ =	sdelay $0x3  }
0x36: {  	p1 =	seq.s32 s10, $0x1;
	s10 =	sld [smem:$0x3FB5];
	_ =	sdelay $0x3  }
0x37: {  	[smem:$0x3FB5] =	sst s10  }
0x38: {  	s10 =	sld [smem:$0x3FB6]  }
0x39: {  	_ = 	snop;
	(pc) =	sbr.ind lr, $3  }
0x3a: {  	_ = 	snop  }
0x3b: {  	_ = 	snop  }
0x3c: {  	p2 =	seq.s32 s10, $0x1;
	s10 =	sld [smem:$0x3FB5]  }
0x3d: {  	_ =	shalt  }
0x3e: {  	_ =	shalt  }
0x3f: {  	_ =	shalt  }
0x40: {  	_ =	shalt  }
0x41: {  	_ =	shalt  }
0x42: {  	_ =	shalt  }
0x43: {  	_ =	shalt  }
0x44: {  	_ =	shalt  }
0x45: {  	_ =	shalt  }
0x46: {  	_ =	shalt  }
0x47: {  	_ =	shalt  }
0x48: {  	_ =	shalt  }
0x49: {  	_ =	shalt  }
0x4a: {  	_ =	shalt  }
0x4b: {  	_ =	shalt  }
0x4c: {  	_ =	shalt  }
0x4d: {  	_ =	shalt  }
0x4e: {  	_ =	shalt  }
0x4f: {  	_ =	shalt  }
0x50: {  	_ =	shalt  }
0x51: {  	_ =	shalt  }
0x52: {  	_ =	shalt  }
0x53: {  	_ =	shalt  }
0x54: {  	_ =	shalt  }
0x55: {  	_ =	shalt  }
0x56: {  	_ =	shalt  }
0x57: {  	_ =	shalt  }
0x58: {  	_ =	shalt  }
0x59: {  	_ =	shalt  }
0x5a: {  	_ =	shalt  }
0x5b: {  	_ =	shalt  }
0x5c: {  	_ =	shalt  }
0x5d: {  	_ =	shalt  }
0x5e: {  	_ =	shalt  }
0x5f: {  	_ =	shalt  }
0x60: {  	_ =	shalt  }
0x61: {  	_ =	shalt  }
0x62: {  	_ =	shalt  }
0x63: {  	_ =	shalt  }
0x64: {  	_ =	shalt  }
0x65: {  	_ =	shalt  }
0x66: {  	_ =	shalt  }
0x67: {  	_ =	shalt  }
0x68: {  	_ =	shalt  }
0x69: {  	_ =	shalt  }
0x6a: {  	_ =	shalt  }
0x6b: {  	_ =	shalt  }
0x6c: {  	_ =	shalt  }
0x6d: {  	_ =	shalt  }
0x6e: {  	_ =	shalt  }
0x6f: {  	_ =	shalt  }
0x70: {  	_ =	shalt  }
0x71: {  	_ =	shalt  }
0x72: {  	_ =	shalt  }
0x73: {  	_ =	shalt  }
0x74: {  	_ =	shalt  }
0x75: {  	_ =	shalt  }
0x76: {  	_ =	shalt  }
0x77: {  	_ =	shalt  }
0x78: {  	_ =	shalt  }
0x79: {  	_ =	shalt  }
0x7a: {  	_ =	shalt  }
0x7b: {  	_ =	shalt  }
0x7c: {  	_ =	shalt  }
0x7d: {  	_ =	shalt  }
0x7e: {  	_ =	shalt  }
0x7f: {  	_ =	shalt  }
0x80: {  	_ =	shalt  }
0x81: {  	_ =	shalt  }
0x82: {  	_ =	shalt  }
0x83: {  	_ =	shalt  }
0x84: {  	_ =	shalt  }
0x85: {  	_ =	shalt  }
0x86: {  	_ =	shalt  }
0x87: {  	_ =	shalt  }
.Lfunc_end0:
.L_simem_size_0:
called_computation.1_lowered:
.L_overlay_start_0:
0x88: {  	s2 =	sld [smem:$0x3FD9]  }
0x89: {  	s3 =	sld [smem:$0x3FFE];
	_ =	sdelay $0x1  }
0x8a: {  	s1 =	srdreg.scid  }
0x8b: {  	s0 =	sand.u32 $0x1, s1  }
0x8c: {  	s17 =	sshll.u32 s0, $0xA;
	s2 =	sadd.s32 s3, s2  }
0x8d: {  	s2 =	sadd.s32 s2, s17  }
0x8e: {  	[smem:$0x3FC1] =	sst s2  }
0x8f: {  	_ = 	snop  }
0x90: {  	(tm) =	ssettm $0x1  }
0x91: {  	s18 =	sld [smem:$0x3FFB];
	_ =	sdelay $0x3  }
0x92: {  	_ =	strace s18  }
0x93: {  	s2 =	sld [smem:$0x3FFC];
	_ =	sdelay $0x3  }
0x94: {  	_ =	strace s2  }
0x95: {  	s2 =	sld [smem:$0x3FFD];
	_ =	sdelay $0x3  }
0x96: {  	_ =	strace s2  }
0x97: {  	_ =	strace $0x8FFFFFFF  }
0x98: {  	s19 =	sld [smem:$0x3FDB];
	_ =	sdelay $0x1  }
0x99: {  	s20 =	simm.s32 $_scs_section_size  }
0x9a: {  	s4 =	simm.s32 $_size__tile_overlayer_lowered;
	s5 =	simm.s32 $_tile_overlayer_lowered  }
0x9b: {  	s6 =	simm.s32 $0x1BFF;
	s21 =	sshll.u32 s5, $0x1;
	s3 =	sadd.s32 s20, s19  }
0x9c: {  	s22 =	simm.s32 $0x0;
	s4 =	sshll.u32 s4, $0x1;
	s5 =	sadd.s32 s21, s3  }
0x9d: {  	[timem:s22], [sflag:s6] =	dma.local [hbm:s5], s4  }
0x9e: {  	_ =	swait.ge [sflag:s6], s4  }
0x9f: {  	s4 =	ssub.s32 $0x0, s4;
	[sflag:s6] =	ssyncset.done $0x0  }
0xa0: {  	[sflag:s6] =	ssyncadd.s32 s4;
	_ =	sdelay $0x1  }
0xa1: {  	s23 =	simm.s32 $0x1B8B  }
0xa2: {  	_ =	swait.ge [sflag:s23], $0x1  }
0xa3: {  	[sflag:s23] =	ssyncset.done $0x0  }
0xa4: {  	[sflag:s23] =	ssyncadd.s32 $0xFFFFFFFF  }
0xa5: {  	s4 =	sld [smem:$0x0]  }
0xa6: {  	s5 =	sand.u32 $0xFFFFFFFE, s1  }
0xa7: {  	p0 =	sne.s32 s1, s5  }
0xa8: {  	s5 =	sshll.u32 @p0 s5, $0xE  }
0xa9: {  	s5 =	sadd.s32 @p0 $0x11B8D, s5;
	s6 =	sshll.u32 @p0 s4, $0x11  }
0xaa: {  	s5 =	sor.u32 @p0 s6, s5  }
0xab: {  	[sflag:s5] =	ssyncadd.remote.s32 @p0 $0x1;
	_ =	sdelay $0x1  }
0xac: {  	s5 =	simm.s32 @p0 $0x1B8D  }
0xad: {  	_ =	swait.eq @p0 [sflag:s5], $0x1  }
0xae: {  	[sflag:s5] =	ssyncadd.s32 @p0 $0xFFFFFFFF  }
0xaf: {  	s6 =	sshll.u32 @!p0 s1, $0xE  }
0xb0: {  	s6 =	sor.u32 @!p0 $0x4000, s6;
	s5 =	simm.s32 @!p0 $0x1B8D  }
0xb1: {  	s4 =	sshll.u32 @!p0 s4, $0x11;
	s6 =	sadd.s32 @!p0 $0x11B8D, s6;
	_ =	swait.eq @!p0 [sflag:s5], $0x1  }
0xb2: {  	s4 =	sor.u32 @!p0 s4, s6;
	[sflag:s5] =	ssyncadd.s32 @!p0 $0xFFFFFFFF  }
0xb3: {  	s25 =	simm.s32 $0x1B8E;
	s24 =	sld [smem:$0x3FFE];
	[sflag:s4] =	ssyncadd.remote.s32 @!p0 $0x1  }
0xb4: {  	s26 =	simm.s32 $execute0_lowered;
	[smem:$0x3FD2] =	sst s25  }
0xb5: {  	s5 =	sshll.u32 s26, $0x1;
	_ =	strace $0x80000049;
	[dreg:$0x1] =	wrdreg $0xFFFFFFFF  }
0xb6: {  	s28 =	simm.s32 $_size_execute0_lowered;
	s3 =	sadd.s32 s3, s5;
	[dreg:$0x0] =	wrdreg $0x0  }
0xb7: {  	s5 =	sshll.u32 s28, $0x1;
	[dreg:$0x2] =	wrdreg s3  }
0xb8: {  	[dreg:$0x3] =	wrdreg s5  }
0xb9: {  	[dreg:$0x4] =	wrdreg $0xC0  }
0xba: {  	_ =	task [dreg:s22], $0x5FFFF  }
0xbb: {  	[dreg:$0x1] =	wrdreg $0xFFFFFFFF  }
0xbc: {  	[dreg:$0x0] =	wrdreg $0x60  }
0xbd: {  	[dreg:$0x2] =	wrdreg s24  }
0xbe: {  	[dreg:$0x3] =	wrdreg $0xA  }
0xbf: {  	_ =	task.clear_ibuf [dreg:s22], $0x4FFFF;
	_ =	strace $0x90000049  }
0xc0: {  	s29 =	simm.s32 $0xA;
	_ =	strace $0x8000004B  }
0xc1: {  	_ =	swait.ge [sflag:s29], $0x1  }
0xc2: {  	[sflag:s29] =	ssyncadd.s32 $0xFFFFFFFF  }
0xc3: {  	_ =	strace $0x9000004B  }
0xc4: {  	_ =	sfence  }
0xc5: {  	s30 =	sld [smem:$0x0];
	_ =	sdelay $0x2  }
0xc6: {  	s31 =	sshll.u32 s1, $0xD;
	s1 =	sshrl.u32 s1, $0x2  }
0xc7: {  	s4 =	sand.u32 $0x4000, s31;
	s1 =	sadd.s32 s1, s30  }
0xc8: {  	s0 =	sor.u32 s4, s0;
	s1 =	sshll.u32 s1, $0x11  }
0xc9: {  	s0 =	sor.u32 s1, s0  }
0xca: {  	s0 =	sadd.s32 $0x8F2B, s0  }
0xcb: {  	[sflag:s0] =	ssyncadd.remote.s32 $0x1  }
0xcc: {  	_ =	sfence.sel $0xFFFF  }
0xcd: {  	[dreg:$0x0] =	wrdreg $0xFFFFFFFF;
	(pc) =	sbr.abs _section_cstart, $3  }
0xce: {  	[dreg:$0x1] =	wrdreg $0xFFFFFFFF  }
0xcf: {  	_ =	task.clear_ibuf [dreg:s22], $0x2FFFF;
	_ =	strace $0x9FFFFFFF  }
0xd0: {  	(tm) =	ssettm $0x7FFFFFFF  }
0xd1: {  	_ =	shalt  }
tec
execute0_lowered:
.L_overlay_start_1:
0x0: {  	(tag) =	ssettag $0x1  }
0x1: {  	s1 =	srdreg.scid  }
0x2: {  	s0 =	stileid.u32;
	s23 =	sand.u32 $0x1, s1  }
0x3: {  	s3 =	sshll.u32 s0, $0xA;
	s4 =	sshll.u32 s23, $0x9  }
0x4: {  	s14 =	rddreg [dreg:$0x0];
	s2 =	simm.s32 $0x0;
	s15 =	sor.u32 s4, s3  }
0x5: {  	[smem:$0x7FF] =	sst s2;
	s3 =	sshrl.u32 s15, $0x3  }
0x6: {  	s1 =	rddreg [dreg:$0x1];
	_ =	strace $0x8000004A;
	s3 =	sadd.s32 s3, s14  }
0x7: {  	s4 =	simm.s32 $0x9;
	s3 =	sadd.s32 $0x2C3400, s3  }
0x8: {  	[tilespmem:s2], [sflag:$0x9] =	stream.linear.gather [hbm4b:s3+s2], $0x200, $0x38;
	[tilespmem:$0x18200] =	vst v63  }
0x9: {  	_ =	swait.ge [sflag:s4], $0x200  }
0xa: {  	s6 =	simm.s32 $0x80;
	[sflag:s4] =	ssyncset.done $0x0  }
0xb: {  	s7 =	simm.s32 $0x200;
	s5 =	sadd.s32 $0x2C3C00, s14;
	[sflag:s4] =	ssyncadd.s32 $0xFFFFFE00  }
0xc: {  	[tilespmem:s7], [sflag:$0x1] =	stream.indirect.gather [hbm4b:s5+s6], $0x80, s2, s6, $0xb8;
	[tilespmem:$0x18200] =	vst v63  }
0xd: {  	s8 =	simm.s32 $0x4200  }
0xe: {  	[tilespmem:s8], [sflag:$0x2] =	stream.indirect.gather [hbm4b:s5+s6], $0x80, s6, s6, $0xb8;
	[tilespmem:$0x18200] =	vst v63  }
0xf: {  	s9 =	simm.s32 $0x100;
	s10 =	simm.s32 $0x8200  }
0x10: {  	[tilespmem:s10], [sflag:$0x3] =	stream.indirect.gather [hbm4b:s5+s6], $0x80, s9, s6, $0xb8;
	[tilespmem:$0x18200] =	vst v63  }
0x11: {  	s11 =	simm.s32 $0x180;
	s12 =	simm.s32 $0xC200;
	s13 =	simm.s32 $0x1  }
0x12: {  	[tilespmem:s12], [sflag:$0x4] =	stream.indirect.gather [hbm4b:s5+s6], $0x80, s11, s6, $0xb8;
	[tilespmem:$0x18200] =	vst v63  }
0x13: {  	s15 =	sshll.u32 s15, $0x4;
	_ =	swait.ge [sflag:s13], $0x4000  }
0x14: {  	s20 =	sadd.s32 s15, s14;
	[sflag:s13] =	ssyncset.done $0x0  }
0x15: {  	s15 =	simm.s32 $0x2;
	s14 =	sadd.s32 $0x4C3C00, s20;
	[sflag:s13] =	ssyncadd.s32 $0xFFFFC000  }
0x16: {  	[hbm4b:s14+s2] =	stream.linear.scatter [tilespmem:s7], [sflag:$0x5], $0x4000, $0x38;
	[tilespmem:$0x18200] =	vst v63  }
0x17: {  	_ =	swait.ge [sflag:s15], $0x4000  }
0x18: {  	[sflag:s15] =	ssyncset.done $0x0  }
0x19: {  	s17 =	simm.s32 $0x3;
	s16 =	sadd.s32 $0x4C4400, s20;
	[sflag:s15] =	ssyncadd.s32 $0xFFFFC000  }
0x1a: {  	[hbm4b:s16+s2] =	stream.linear.scatter [tilespmem:s8], [sflag:$0x6], $0x4000, $0x38;
	[tilespmem:$0x18200] =	vst v63  }
0x1b: {  	_ =	swait.ge [sflag:s17], $0x4000  }
0x1c: {  	[sflag:s17] =	ssyncset.done $0x0  }
0x1d: {  	s19 =	simm.s32 $0x4;
	s18 =	sadd.s32 $0x4C4C00, s20;
	[sflag:s17] =	ssyncadd.s32 $0xFFFFC000  }
0x1e: {  	[hbm4b:s18+s2] =	stream.linear.scatter [tilespmem:s10], [sflag:$0x7], $0x4000, $0x38;
	[tilespmem:$0x18200] =	vst v63  }
0x1f: {  	_ =	swait.ge [sflag:s19], $0x4000  }
0x20: {  	[sflag:s19] =	ssyncset.done $0x0  }
0x21: {  	s21 =	simm.s32 $0x5;
	s20 =	sadd.s32 $0x4C5400, s20;
	[sflag:s19] =	ssyncadd.s32 $0xFFFFC000  }
0x22: {  	[hbm4b:s20+s2] =	stream.linear.scatter [tilespmem:s12], [sflag:$0x8], $0x4000, $0x38;
	[tilespmem:$0x18200] =	vst v63  }
0x23: {  	_ =	swait.ge [sflag:s21], $0x4000  }
0x24: {  	s24 =	ssub.s32 $0x2, s23;
	[sflag:s21] =	ssyncset.done $0x0  }
0x25: {  	s22 =	simm.s32 $0x6;
	s25 =	sshrl.u32 s24, $0x1;
	[sflag:s21] =	ssyncadd.s32 $0xFFFFC000  }
0x26: {  	s24 =	ssub.s32 s24, s25;
	_ =	swait.ge [sflag:s22], $0x4000  }
0x27: {  	s25 =	smax.u32 s24, $0x1;
	[sflag:s22] =	ssyncset.done $0x0  }
0x28: {  	s23 =	simm.s32 $0x7;
	p0 =	sne.s32 s25, $0x1;
	[sflag:s22] =	ssyncadd.s32 $0xFFFFC000  }
.Ltmp0:
0x29: {  	_ =	swait.ge [sflag:s23], $0x4000;
	(pc) =	sbr.rel @!p0 .LBB2_2-.Ltmp0, $4  }
0x2a: {  	[sflag:s23] =	ssyncset.done $0x0  }
0x2b: {  	s24 =	simm.s32 $0x8;
	[sflag:s23] =	ssyncadd.s32 $0xFFFFC000  }
0x2c: {  	_ =	swait.ge [sflag:s24], $0x4000  }
0x2d: {  	s25 =	sadd.s32 $0xFFFFFFFF, s25;
	[sflag:s24] =	ssyncset.done $0x0  }
.LBB2_1:
0x2e: {  	p0 =	sne.s32 s25, $0x1;
	s25 =	sadd.s32 $0xFFFFFFFF, s25;
	[sflag:s24] =	ssyncadd.s32 $0xFFFFC000  }
0x2f: {  	[tilespmem:s2], [sflag:$0x9] =	stream.linear.gather [hbm4b:s3+s2], $0x200, $0x38;
	[tilespmem:$0x18200] =	vst v63  }
0x30: {  	_ =	swait.ge [sflag:s4], $0x200  }
0x31: {  	[sflag:s4] =	ssyncset.done $0x0  }
0x32: {  	[sflag:s4] =	ssyncadd.s32 $0xFFFFFE00  }
0x33: {  	[tilespmem:s7], [sflag:$0x1] =	stream.indirect.gather [hbm4b:s5+s6], $0x80, s2, s6, $0xb8;
	[tilespmem:$0x18200] =	vst v63  }
0x34: {  	_ = 	snop  }
0x35: {  	[tilespmem:s8], [sflag:$0x2] =	stream.indirect.gather [hbm4b:s5+s6], $0x80, s6, s6, $0xb8;
	[tilespmem:$0x18200] =	vst v63  }
0x36: {  	_ = 	snop  }
0x37: {  	[tilespmem:s10], [sflag:$0x3] =	stream.indirect.gather [hbm4b:s5+s6], $0x80, s9, s6, $0xb8;
	[tilespmem:$0x18200] =	vst v63  }
0x38: {  	_ = 	snop  }
0x39: {  	[tilespmem:s12], [sflag:$0x4] =	stream.indirect.gather [hbm4b:s5+s6], $0x80, s11, s6, $0xb8;
	[tilespmem:$0x18200] =	vst v63  }
0x3a: {  	_ =	swait.ge [sflag:s13], $0x4000  }
0x3b: {  	[sflag:s13] =	ssyncset.done $0x0  }
0x3c: {  	[sflag:s13] =	ssyncadd.s32 $0xFFFFC000  }
0x3d: {  	[hbm4b:s14+s2] =	stream.linear.scatter [tilespmem:s7], [sflag:$0x5], $0x4000, $0x38;
	[tilespmem:$0x18200] =	vst v63  }
0x3e: {  	_ =	swait.ge [sflag:s15], $0x4000  }
0x3f: {  	[sflag:s15] =	ssyncset.done $0x0  }
0x40: {  	[sflag:s15] =	ssyncadd.s32 $0xFFFFC000  }
0x41: {  	[hbm4b:s16+s2] =	stream.linear.scatter [tilespmem:s8], [sflag:$0x6], $0x4000, $0x38;
	[tilespmem:$0x18200] =	vst v63  }
0x42: {  	_ =	swait.ge [sflag:s17], $0x4000  }
0x43: {  	[sflag:s17] =	ssyncset.done $0x0  }
0x44: {  	[sflag:s17] =	ssyncadd.s32 $0xFFFFC000  }
0x45: {  	[hbm4b:s18+s2] =	stream.linear.scatter [tilespmem:s10], [sflag:$0x7], $0x4000, $0x38;
	[tilespmem:$0x18200] =	vst v63  }
0x46: {  	_ =	swait.ge [sflag:s19], $0x4000  }
0x47: {  	[sflag:s19] =	ssyncset.done $0x0  }
0x48: {  	[sflag:s19] =	ssyncadd.s32 $0xFFFFC000  }
0x49: {  	[hbm4b:s20+s2] =	stream.linear.scatter [tilespmem:s12], [sflag:$0x8], $0x4000, $0x38;
	[tilespmem:$0x18200] =	vst v63  }
0x4a: {  	_ =	swait.ge [sflag:s21], $0x4000  }
0x4b: {  	[sflag:s21] =	ssyncset.done $0x0  }
0x4c: {  	[sflag:s21] =	ssyncadd.s32 $0xFFFFC000  }
0x4d: {  	_ =	swait.ge [sflag:s22], $0x4000  }
0x4e: {  	[sflag:s22] =	ssyncset.done $0x0  }
0x4f: {  	[sflag:s22] =	ssyncadd.s32 $0xFFFFC000  }
.Ltmp1:
0x50: {  	_ =	swait.ge [sflag:s23], $0x4000;
	(pc) =	sbr.rel @p0 .LBB2_1-.Ltmp1, $4  }
0x51: {  	[sflag:s23] =	ssyncset.done $0x0  }
0x52: {  	[sflag:s23] =	ssyncadd.s32 $0xFFFFC000  }
0x53: {  	_ =	swait.ge [sflag:s24], $0x4000  }
0x54: {  	[sflag:s24] =	ssyncset.done $0x0  }
.LBB2_2:
0x55: {  	[sflag:s24] =	ssyncadd.s32 $0xFFFFC000  }
0x56: {  	_ =	sfence.sel $0x180000  }
0x57: {  	[bflag:$0x0] =	sbarrier.arrive $0xFFFF  }
0x58: {  	p0 =	sne.s32 s0, $0x0;
	_ =	strace $0x9000004A  }
0x59: {  	s0 =	sadd.s32 @!p0 $0x100000, s1;
	[bflag:$0x2] =	sbarrier.arrive $0xFFFF  }
0x5a: {  	[sflag:s0] =	ssyncadd.tile.s32 @!p0 $0x1;
	_ =	shalt  }
.Lfunc_end2:
_tile_overlayer_lowered:
.L_overlay_start_2:
0x5b: {  	(tag) =	ssettag $0x2  }
0x5c: {  	s0 =	rddreg [dreg:$0x0];
	s2 =	stileid.u32  }
0x5d: {  	s1 =	rddreg [dreg:$0x1];
	p0 =	sne.s32 s2, $0x0  }
0x5e: {  	s3 =	rddreg [dreg:$0x2];
	[bflag:$0x3] =	sbarrier.arrive $0xFFFF;
	s2 =	simm.s32 @!p0 $0x1C09  }
0x5f: {  	[timem:s3], [sflag:s2] =	dma.local @!p0 [hbm:s0], s1  }
0x60: {  	s0 =	simm.s32 @!p0 $0x9  }
0x61: {  	_ =	swait.ge @!p0 [sflag:s0], s1  }
0x62: {  	s1 =	ssub.s32 @!p0 $0x0, s1;
	[sflag:s0] =	ssyncset.done @!p0 $0x0  }
0x63: {  	[sflag:s0] =	ssyncadd.s32 @!p0 s1  }
0x64: {  	[bflag:$0x3] =	sbarrier.arrive $0xFFFF  }
0x65: {  	_ =	shalt  }

// kernel: kernel.7.cloned.1.call-start
scs
__scs_entry_jumppad:
0x0: {  	(pc) =	sbr.rel $0x88, $3  }
0x1: {  	(tag) =	ssettag $0x0;
	lr =	simm.s32 $0x1  }
0x2: {  	[smem:$0x3F9A] =	sst lr;
	_ =	strace $0xD0000000  }
0x3: {  	_ = 	snop  }
0x4: {  	_ = 	snop  }
0x5: {  	_ = 	snop  }
0x6: {  	_ = 	snop  }
0x7: {  	_ = 	snop  }
__scs_overlays_trampoline_lowered:
0x8: {  	[smem:$0x3FA9] =	sst s0  }
0x9: {  	[smem:$0x3FAA] =	sst s1  }
0xa: {  	[smem:$0x3FAB] =	sst s2  }
0xb: {  	[smem:$0x3FAC] =	sst s3  }
0xc: {  	[smem:$0x3FAD] =	sst s4  }
0xd: {  	[smem:$0x3FAE] =	sst s5  }
0xe: {  	[smem:$0x3FAF] =	sst s6  }
0xf: {  	[smem:$0x3FB0] =	sst s7  }
0x10: {  	[smem:$0x3FB1] =	sst s8  }
0x11: {  	[smem:$0x3FB2] =	sst s9;
	s0 =	simm.s32 @!p0 $0x0  }
0x12: {  	s1 =	sld [smem:$0x3F98];
	s0 =	simm.s32 @p0 $0x1  }
0x13: {  	[smem:$0x3FB3] =	sst s0;
	s0 =	simm.s32 @!p1 $0x0  }
0x14: {  	s2 =	sld [smem:$0x3F97];
	s0 =	simm.s32 @p1 $0x1  }
0x15: {  	[smem:$0x3FB4] =	sst s0;
	s0 =	simm.s32 @!p2 $0x0  }
0x16: {  	s3 =	sld [smem:$0x3FDB];
	s0 =	simm.s32 @p2 $0x1  }
0x17: {  	s4 =	simm.s32 $0x1BF5;
	[smem:$0x3FB6] =	sst s0  }
0x18: {  	s0 =	sld [smem:$0x3F99];
	_ =	swait.ge [sflag:s4], $0x0  }
0x19: {  	s7 =	sld [smem:$0x3F9A]  }
0x1a: {  	s8 =	sadd.s32 $0xFFFFE003, lr  }
0x1b: {  	s9 =	sadd.s32 $0xFFFFFEF7, lr;
	s5 =	simm.s32 $0xFFFFFFFF;
	p2 =	slt.u32 s8, $0xFFFFF086  }
0x1c: {  	p1 =	slt.u32 s9, $0xF7A;
	s5 =	simm.s32 @!p2 $0x0  }
0x1d: {  	s5 =	simm.s32 @p1 $0x1;
	p0 =	seq.s32 s7, s2  }
0x1e: {  	s7 =	smul.u32 @!p0 $0xF7A, s2;
	p2 =	seq.s32 @!p0 s5, $0x0  }
0x1f: {  	s9 =	smul.u32 $0xF7A, s1;
	s8 =	simm.s32 @!p0 $0x1BF5;
	p2 =	por !p2, p0  }
0x20: {  	[sflag:s8] =	ssyncset.s32 @!p0 $0xFFFFF086;
	s6 =	sadd.s32 @!p0 s3, s7;
	s7 =	simm.s32 @!p0 $0x108  }
0x21: {  	s3 =	sadd.s32 s3, s9;
	s6 =	sadd.s32 @!p0 $0x88, s6;
	s7 =	simm.s32 @p2 $0x1082  }
0x22: {  	[simem:s7], [sflag:s8] =	dma.local @!p0 [hbm:s6], $0xF7A  }
0x23: {  	s9 =	sor.u32 $0xD0000000, s2;
	s6 =	simm.s32 $0x108;
	_ =	swait.ge @!p0 [sflag:s8], $0x0  }
0x24: {  	s3 =	sadd.s32 $0x88, s3;
	s6 =	simm.s32 @!p1 $0x1082;
	[sflag:s4] =	ssyncset.s32 $0xFFFFF086  }
0x25: {  	[simem:s6], [sflag:s4] =	dma.local [hbm:s3], $0xF7A  }
0x26: {  	[smem:$0x3F9A] =	sst s1;
	(tag) =	ssettag s2;
	_ =	strace s9  }
0x27: {  	s1 =	sld [smem:$0x3FAA]  }
0x28: {  	s2 =	sld [smem:$0x3FAB]  }
0x29: {  	s4 =	sld [smem:$0x3FAD]  }
0x2a: {  	p0 =	seq.s32 s5, $0x0;
	s5 =	sld [smem:$0x3FAE]  }
0x2b: {  	s6 =	sld [smem:$0x3FAF]  }
0x2c: {  	s7 =	sld [smem:$0x3FB0]  }
0x2d: {  	s3 =	simm.s32 $0x108;
	s8 =	sld [smem:$0x3FB1]  }
0x2e: {  	s3 =	simm.s32 @!p0 $0x1082;
	s9 =	sld [smem:$0x3FB2]  }
0x2f: {  	lr =	sadd.s32 s0, s3;
	s0 =	sld [smem:$0x3FA9]  }
0x30: {  	s3 =	sld [smem:$0x3FAC]  }
0x31: {  	[smem:$0x3FB5] =	sst s10  }
0x32: {  	s10 =	sld [smem:$0x3FB3];
	_ =	sdelay $0x3  }
0x33: {  	p0 =	seq.s32 s10, $0x1;
	s10 =	sld [smem:$0x3FB5];
	_ =	sdelay $0x3  }
0x34: {  	[smem:$0x3FB5] =	sst s10  }
0x35: {  	s10 =	sld [smem:$0x3FB4];
	_ =	sdelay $0x3  }
0x36: {  	p1 =	seq.s32 s10, $0x1;
	s10 =	sld [smem:$0x3FB5];
	_ =	sdelay $0x3  }
0x37: {  	[smem:$0x3FB5] =	sst s10  }
0x38: {  	s10 =	sld [smem:$0x3FB6]  }
0x39: {  	_ = 	snop;
	(pc) =	sbr.ind lr, $3  }
0x3a: {  	_ = 	snop  }
0x3b: {  	_ = 	snop  }
0x3c: {  	p2 =	seq.s32 s10, $0x1;
	s10 =	sld [smem:$0x3FB5]  }
0x3d: {  	_ =	shalt  }
0x3e: {  	_ =	shalt  }
0x3f: {  	_ =	shalt  }
0x40: {  	_ =	shalt  }
0x41: {  	_ =	shalt  }
0x42: {  	_ =	shalt  }
0x43: {  	_ =	shalt  }
0x44: {  	_ =	shalt  }
0x45: {  	_ =	shalt  }
0x46: {  	_ =	shalt  }
0x47: {  	_ =	shalt  }
0x48: {  	_ =	shalt  }
0x49: {  	_ =	shalt  }
0x4a: {  	_ =	shalt  }
0x4b: {  	_ =	shalt  }
0x4c: {  	_ =	shalt  }
0x4d: {  	_ =	shalt  }
0x4e: {  	_ =	shalt  }
0x4f: {  	_ =	shalt  }
0x50: {  	_ =	shalt  }
0x51: {  	_ =	shalt  }
0x52: {  	_ =	shalt  }
0x53: {  	_ =	shalt  }
0x54: {  	_ =	shalt  }
0x55: {  	_ =	shalt  }
0x56: {  	_ =	shalt  }
0x57: {  	_ =	shalt  }
0x58: {  	_ =	shalt  }
0x59: {  	_ =	shalt  }
0x5a: {  	_ =	shalt  }
0x5b: {  	_ =	shalt  }
0x5c: {  	_ =	shalt  }
0x5d: {  	_ =	shalt  }
0x5e: {  	_ =	shalt  }
0x5f: {  	_ =	shalt  }
0x60: {  	_ =	shalt  }
0x61: {  	_ =	shalt  }
0x62: {  	_ =	shalt  }
0x63: {  	_ =	shalt  }
0x64: {  	_ =	shalt  }
0x65: {  	_ =	shalt  }
0x66: {  	_ =	shalt  }
0x67: {  	_ =	shalt  }
0x68: {  	_ =	shalt  }
0x69: {  	_ =	shalt  }
0x6a: {  	_ =	shalt  }
0x6b: {  	_ =	shalt  }
0x6c: {  	_ =	shalt  }
0x6d: {  	_ =	shalt  }
0x6e: {  	_ =	shalt  }
0x6f: {  	_ =	shalt  }
0x70: {  	_ =	shalt  }
0x71: {  	_ =	shalt  }
0x72: {  	_ =	shalt  }
0x73: {  	_ =	shalt  }
0x74: {  	_ =	shalt  }
0x75: {  	_ =	shalt  }
0x76: {  	_ =	shalt  }
0x77: {  	_ =	shalt  }
0x78: {  	_ =	shalt  }
0x79: {  	_ =	shalt  }
0x7a: {  	_ =	shalt  }
0x7b: {  	_ =	shalt  }
0x7c: {  	_ =	shalt  }
0x7d: {  	_ =	shalt  }
0x7e: {  	_ =	shalt  }
0x7f: {  	_ =	shalt  }
0x80: {  	_ =	shalt  }
0x81: {  	_ =	shalt  }
0x82: {  	_ =	shalt  }
0x83: {  	_ =	shalt  }
0x84: {  	_ =	shalt  }
0x85: {  	_ =	shalt  }
0x86: {  	_ =	shalt  }
0x87: {  	_ =	shalt  }
.Lfunc_end0:
.L_simem_size_0:
called_computation_lowered:
.L_overlay_start_0:
0x88: {  	s2 =	sld [smem:$0x3FD9]  }
0x89: {  	s3 =	sld [smem:$0x3FFE];
	_ =	sdelay $0x1  }
0x8a: {  	s1 =	srdreg.scid  }
0x8b: {  	s0 =	sand.u32 $0x1, s1  }
0x8c: {  	s16 =	sshll.u32 s0, $0xA;
	s2 =	sadd.s32 s3, s2  }
0x8d: {  	s2 =	sadd.s32 s2, s16  }
0x8e: {  	[smem:$0x3FC1] =	sst s2  }
0x8f: {  	_ = 	snop  }
0x90: {  	(tm) =	ssettm $0x1  }
0x91: {  	s17 =	sld [smem:$0x3FFB];
	_ =	sdelay $0x3  }
0x92: {  	_ =	strace s17  }
0x93: {  	s2 =	sld [smem:$0x3FFC];
	_ =	sdelay $0x3  }
0x94: {  	_ =	strace s2  }
0x95: {  	s2 =	sld [smem:$0x3FFD];
	_ =	sdelay $0x3  }
0x96: {  	_ =	strace s2  }
0x97: {  	_ =	strace $0x8FFFFFFF  }
0x98: {  	s18 =	sld [smem:$0x3FDB];
	_ =	sdelay $0x1  }
0x99: {  	s19 =	simm.s32 $_scs_section_size  }
0x9a: {  	s4 =	simm.s32 $_size__tile_overlayer_lowered;
	s5 =	simm.s32 $_tile_overlayer_lowered  }
0x9b: {  	s22 =	simm.s32 $0x1BFF;
	s21 =	sshll.u32 s5, $0x1;
	s2 =	sadd.s32 s19, s18  }
0x9c: {  	s6 =	simm.s32 $0x0;
	s20 =	sshll.u32 s4, $0x1;
	s4 =	sadd.s32 s21, s2  }
0x9d: {  	[timem:s6], [sflag:s22] =	dma.local [hbm:s4], s20  }
0x9e: {  	_ =	swait.ge [sflag:s22], s20  }
0x9f: {  	s3 =	ssub.s32 $0x0, s20;
	[sflag:s22] =	ssyncset.done $0x0  }
0xa0: {  	[sflag:s22] =	ssyncadd.s32 s3;
	_ =	sdelay $0x1  }
0xa1: {  	s23 =	simm.s32 $0x1B8B  }
0xa2: {  	_ =	swait.ge [sflag:s23], $0x1  }
0xa3: {  	[sflag:s23] =	ssyncset.done $0x0  }
0xa4: {  	s25 =	simm.s32 $0x1B8E;
	s24 =	sld [smem:$0x3FFE];
	[sflag:s23] =	ssyncadd.s32 $0xFFFFFFFF  }
0xa5: {  	s26 =	simm.s32 $execute0_lowered;
	[smem:$0x3FD2] =	sst s25  }
0xa6: {  	s4 =	sshll.u32 s26, $0x1;
	_ =	strace $0x80000046;
	[dreg:$0x1] =	wrdreg $0xFFFFFFFF  }
0xa7: {  	s28 =	simm.s32 $_size_execute0_lowered;
	s2 =	sadd.s32 s2, s4;
	[dreg:$0x0] =	wrdreg $0x0  }
0xa8: {  	s4 =	sshll.u32 s28, $0x1;
	[dreg:$0x2] =	wrdreg s2  }
0xa9: {  	[dreg:$0x3] =	wrdreg s4  }
0xaa: {  	[dreg:$0x4] =	wrdreg $0xC0  }
0xab: {  	_ =	task [dreg:s6], $0x5FFFF  }
0xac: {  	[dreg:$0x1] =	wrdreg $0xFFFFFFFF  }
0xad: {  	[dreg:$0x0] =	wrdreg $0x60  }
0xae: {  	[dreg:$0x2] =	wrdreg s24  }
0xaf: {  	[dreg:$0x3] =	wrdreg $0x9  }
0xb0: {  	_ =	task.clear_ibuf [dreg:s6], $0x4FFFF;
	_ =	strace $0x90000046  }
0xb1: {  	s29 =	simm.s32 $0x9;
	_ =	strace $0x80000048  }
0xb2: {  	_ =	swait.ge [sflag:s29], $0x1  }
0xb3: {  	[sflag:s29] =	ssyncadd.s32 $0xFFFFFFFF  }
0xb4: {  	_ =	strace $0x90000048  }
0xb5: {  	_ =	sfence  }
0xb6: {  	s30 =	sld [smem:$0x0];
	_ =	sdelay $0x2  }
0xb7: {  	s31 =	sshll.u32 s1, $0xD;
	s1 =	sshrl.u32 s1, $0x2  }
0xb8: {  	s3 =	sand.u32 $0x4000, s31;
	s1 =	sadd.s32 s1, s30  }
0xb9: {  	s0 =	sor.u32 s3, s0;
	s1 =	sshll.u32 s1, $0x11  }
0xba: {  	s0 =	sor.u32 s1, s0  }
0xbb: {  	s0 =	sadd.s32 $0x8F2B, s0  }
0xbc: {  	[sflag:s0] =	ssyncadd.remote.s32 $0x1  }
0xbd: {  	_ =	sfence.sel $0xFFFF  }
0xbe: {  	[dreg:$0x0] =	wrdreg $0xFFFFFFFF;
	(pc) =	sbr.abs _section_cstart, $3  }
0xbf: {  	[dreg:$0x1] =	wrdreg $0xFFFFFFFF  }
0xc0: {  	_ =	task.clear_ibuf [dreg:s6], $0x2FFFF;
	_ =	strace $0x9FFFFFFF  }
0xc1: {  	(tm) =	ssettm $0x7FFFFFFF  }
tec
execute0_lowered:
.L_overlay_start_1:
0x0: {  	(tag) =	ssettag $0x1  }
0x1: {  	s0 =	srdreg.scid  }
0x2: {  	s1 =	stileid.u32;
	s3 =	rddreg [dreg:$0x0];
	s30 =	simm.s32 $0xD  }
0x3: {  	s28 =	simm.s32 $0x200;
	s24 =	simm.s32 $0x100;
	s25 =	simm.s32 $0x180  }
0x4: {  	s26 =	simm.s32 $0x280;
	s31 =	simm.s32 $0x380;
	s29 =	simm.s32 $0x480  }
0x5: {  	p0 =	por $0x0, $0x0;
	s0 =	sand.u32 $0x1, s0;
	s6 =	sadd.s32 $0x203400, s3  }
0x6: {  	s1 =	sshll.u32 s1, $0xA;
	s8 =	sadd.s32 $0x243400, s3;
	s2 =	sshll.u32 s0, $0x9  }
0x7: {  	s18 =	sadd.s32 $0x283400, s3;
	s0 =	ssub.s32 $0x2, s0;
	s1 =	sor.u32 s2, s1  }
0x8: {  	s2 =	simm.s32 $0x0;
	s21 =	sshrl.u32 s0, $0x1;
	s4 =	sshrl.u32 s1, $0x3  }
0x9: {  	[smem:$0x7FF] =	sst s2;
	s1 =	sshll.u32 s1, $0x4;
	s0 =	ssub.s32 s0, s21  }
0xa: {  	s21 =	simm.s32 $0x2;
	_ =	strace $0x80000047;
	[dreg:$0x11] =	wrdreg s24  }
0xb: {  	s4 =	sadd.s32 s4, s3;
	s10 =	sadd.s32 s6, s1;
	[dreg:$0x12] =	wrdreg s25  }
0xc: {  	s11 =	sor.u32 $0x800, s1;
	s7 =	sor.u32 $0x1000, s1;
	[dreg:$0x13] =	wrdreg s26  }
0xd: {  	s15 =	sadd.s32 s8, s1;
	s0 =	smax.u32 s0, $0x1;
	[dreg:$0x5] =	wrdreg s10  }
0xe: {  	s26 =	simm.s32 $0x500;
	s5 =	sadd.s32 $0x1C00, s4;
	[dreg:$0x9] =	wrdreg s15  }
0xf: {  	s25 =	simm.s32 $0x580;
	s9 =	sadd.s32 $0x2400, s4;
	[dreg:$0x2] =	wrdreg s5  }
0x10: {  	s4 =	sadd.s32 $0x2C00, s4;
	s12 =	sadd.s32 s6, s11;
	[dreg:$0x3] =	wrdreg s9  }
0x11: {  	s13 =	sadd.s32 s6, s7;
	s16 =	sadd.s32 s8, s11;
	[dreg:$0x4] =	wrdreg s4  }
0x12: {  	s17 =	sadd.s32 s8, s7;
	s20 =	sadd.s32 s18, s11;
	[dreg:$0x6] =	wrdreg s12  }
0x13: {  	s22 =	sadd.s32 s18, s7;
	s15 =	simm.s32 $0x600;
	[dreg:$0x7] =	wrdreg s13  }
0x14: {  	s11 =	simm.s32 $0x10600;
	s7 =	simm.s32 $0x14600;
	[dreg:$0xa] =	wrdreg s16  }
0x15: {  	p1 =	sne.s32 s0, $0x1;
	s24 =	sadd.s32 $0xFFFFFFFF, s0;
	[dreg:$0xb] =	wrdreg s17  }
0x16: {  	s10 =	simm.s32 $0xC;
	s9 =	sor.u32 $0x1800, s1;
	[dreg:$0xe] =	wrdreg s20  }
0x17: {  	s1 =	sadd.s32 s18, s1;
	[dreg:$0xf] =	wrdreg s22;
	s16 =	simm.s32 $0x80  }
0x18: {  	s13 =	simm.s32 $0x8600;
	s12 =	simm.s32 $0xC600;
	s22 =	simm.s32 $0x1  }
0x19: {  	s4 =	simm.s32 $0x7;
	s5 =	simm.s32 $0x8;
	s20 =	simm.s32 $0x3  }
0x1a: {  	s17 =	simm.s32 $0x6;
	s14 =	sadd.s32 s6, s9;
	[dreg:$0xd] =	wrdreg s1  }
.Ltmp0:
0x1b: {  	s19 =	sadd.s32 s8, s9;
	s0 =	rddreg [dreg:$0x2];
	(pc) =	sbr.rel @!p1 .LBB2_1-.Ltmp0, $4  }
0x1c: {  	s8 =	sadd.s32 $0x3400, s3;
	s23 =	sadd.s32 s18, s9;
	[dreg:$0x8] =	wrdreg s14  }
0x1d: {  	s6 =	simm.s32 $0x9;
	s18 =	simm.s32 $0x4;
	[dreg:$0xc] =	wrdreg s19  }
0x1e: {  	s3 =	simm.s32 $0xA;
	s9 =	simm.s32 $0xB;
	[dreg:$0x10] =	wrdreg s23  }
0x1f: {  	s23 =	simm.s32 $0x400;
	s14 =	simm.s32 $0x4600;
	s19 =	simm.s32 $0x5  }
0x20: {  	[tilespmem:s2], [sflag:$0xD] =	stream.linear.gather [hbm4b:s0+s2], $0x200, $0x38;
	[tilespmem:$0x18600] =	vst v63  }
0x21: {  	_ =	swait.ge [sflag:s30], $0x200  }
0x22: {  	[sflag:s30] =	ssyncset.done $0x0  }
0x23: {  	s1 =	rddreg [dreg:$0x3];
	[sflag:s30] =	ssyncadd.s32 $0xFFFFFE00  }
0x24: {  	[tilespmem:s28], [sflag:$0xD] =	stream.linear.gather [hbm4b:s1+s2], $0x200, $0x38;
	[tilespmem:$0x18600] =	vst v63  }
0x25: {  	_ =	swait.ge [sflag:s30], $0x200  }
0x26: {  	[sflag:s30] =	ssyncset.done $0x0  }
0x27: {  	s1 =	rddreg [dreg:$0x4];
	[sflag:s30] =	ssyncadd.s32 $0xFFFFFE00  }
0x28: {  	[tilespmem:s23], [sflag:$0xD] =	stream.linear.gather [hbm4b:s1+s2], $0x200, $0x38;
	[tilespmem:$0x18600] =	vst v63  }
0x29: {  	_ =	swait.ge [sflag:s30], $0x200  }
0x2a: {  	[sflag:s30] =	ssyncset.done $0x0  }
0x2b: {  	[sflag:s30] =	ssyncadd.s32 $0xFFFFFE00  }
0x2c: {  	[tilespmem:s15], [sflag:$0x1] =	stream.indirect.gather [hbm4b:s8+s16], $0x80, s2, s16, $0xb8;
	[tilespmem:$0x18600] =	vst v63  }
0x2d: {  	_ = 	snop  }
0x2e: {  	[tilespmem:s14], [sflag:$0x2] =	stream.indirect.gather [hbm4b:s8+s16], $0x80, s16, s16, $0xb8;
	[tilespmem:$0x18600] =	vst v63  }
0x2f: {  	s0 =	rddreg [dreg:$0x11]  }
0x30: {  	[tilespmem:s13], [sflag:$0x3] =	stream.indirect.gather [hbm4b:s8+s16], $0x80, s0, s16, $0xb8;
	[tilespmem:$0x18600] =	vst v63  }
0x31: {  	s1 =	rddreg [dreg:$0x12]  }
0x32: {  	[tilespmem:s12], [sflag:$0x4] =	stream.indirect.gather [hbm4b:s8+s16], $0x80, s1, s16, $0xb8;
	[tilespmem:$0x18600] =	vst v63  }
0x33: {  	_ = 	snop  }
0x34: {  	[tilespmem:s11], [sflag:$0x5] =	stream.indirect.gather [hbm4b:s8+s16], $0x80, s28, s16, $0xb8;
	[tilespmem:$0x18600] =	vst v63  }
0x35: {  	s1 =	rddreg [dreg:$0x13]  }
0x36: {  	[tilespmem:s7], [sflag:$0x6] =	stream.indirect.gather [hbm4b:s8+s16], $0x80, s1, s16, $0xb8;
	[tilespmem:$0x18600] =	vst v63  }
0x37: {  	_ =	swait.ge [sflag:s22], $0x4000  }
0x38: {  	[sflag:s22] =	ssyncset.done $0x0  }
0x39: {  	s1 =	rddreg [dreg:$0x5];
	[sflag:s22] =	ssyncadd.s32 $0xFFFFC000  }
0x3a: {  	[hbm4b:s1+s2] =	stream.linear.scatter [tilespmem:s15], [sflag:$0x7], $0x4000, $0x38;
	[tilespmem:$0x18600] =	vst v63  }
0x3b: {  	_ =	swait.ge [sflag:s4], $0x4000  }
0x3c: {  	[sflag:s4] =	ssyncset.done $0x0  }
0x3d: {  	s1 =	simm.s32 $0x300;
	[sflag:s4] =	ssyncadd.s32 $0xFFFFC000  }
0x3e: {  	[tilespmem:s15], [sflag:$0x1] =	stream.indirect.gather [hbm4b:s8+s16], $0x80, s1, s16, $0xb8;
	[tilespmem:$0x18600] =	vst v63  }
0x3f: {  	_ =	swait.ge [sflag:s21], $0x4000  }
0x40: {  	[sflag:s21] =	ssyncset.done $0x0  }
0x41: {  	s1 =	rddreg [dreg:$0x6];
	[sflag:s21] =	ssyncadd.s32 $0xFFFFC000  }
0x42: {  	[hbm4b:s1+s2] =	stream.linear.scatter [tilespmem:s14], [sflag:$0x8], $0x4000, $0x38;
	[tilespmem:$0x18600] =	vst v63  }
0x43: {  	_ =	swait.ge [sflag:s5], $0x4000  }
0x44: {  	[sflag:s5] =	ssyncset.done $0x0  }
0x45: {  	[sflag:s5] =	ssyncadd.s32 $0xFFFFC000  }
0x46: {  	[tilespmem:s14], [sflag:$0x2] =	stream.indirect.gather [hbm4b:s8+s16], $0x80, s31, s16, $0xb8;
	[tilespmem:$0x18600] =	vst v63  }
0x47: {  	_ =	swait.ge [sflag:s20], $0x4000  }
0x48: {  	[sflag:s20] =	ssyncset.done $0x0  }
0x49: {  	s1 =	rddreg [dreg:$0x7];
	[sflag:s20] =	ssyncadd.s32 $0xFFFFC000  }
0x4a: {  	[hbm4b:s1+s2] =	stream.linear.scatter [tilespmem:s13], [sflag:$0x9], $0x4000, $0x38;
	[tilespmem:$0x18600] =	vst v63  }
0x4b: {  	_ =	swait.ge [sflag:s6], $0x4000  }
0x4c: {  	[sflag:s6] =	ssyncset.done $0x0  }
0x4d: {  	[sflag:s6] =	ssyncadd.s32 $0xFFFFC000  }
0x4e: {  	[tilespmem:s13], [sflag:$0x3] =	stream.indirect.gather [hbm4b:s8+s16], $0x80, s23, s16, $0xb8;
	[tilespmem:$0x18600] =	vst v63  }
0x4f: {  	_ =	swait.ge [sflag:s18], $0x4000  }
0x50: {  	[sflag:s18] =	ssyncset.done $0x0  }
0x51: {  	s1 =	rddreg [dreg:$0x8];
	[sflag:s18] =	ssyncadd.s32 $0xFFFFC000  }
0x52: {  	[hbm4b:s1+s2] =	stream.linear.scatter [tilespmem:s12], [sflag:$0xA], $0x4000, $0x38;
	[tilespmem:$0x18600] =	vst v63  }
0x53: {  	_ =	swait.ge [sflag:s3], $0x4000  }
0x54: {  	[sflag:s3] =	ssyncset.done $0x0  }
0x55: {  	[sflag:s3] =	ssyncadd.s32 $0xFFFFC000  }
0x56: {  	[tilespmem:s12], [sflag:$0x4] =	stream.indirect.gather [hbm4b:s8+s16], $0x80, s29, s16, $0xb8;
	[tilespmem:$0x18600] =	vst v63  }
0x57: {  	_ =	swait.ge [sflag:s19], $0x4000  }
0x58: {  	[sflag:s19] =	ssyncset.done $0x0  }
0x59: {  	s1 =	rddreg [dreg:$0x9];
	[sflag:s19] =	ssyncadd.s32 $0xFFFFC000  }
0x5a: {  	[hbm4b:s1+s2] =	stream.linear.scatter [tilespmem:s11], [sflag:$0xB], $0x4000, $0x38;
	[tilespmem:$0x18600] =	vst v63  }
0x5b: {  	_ =	swait.ge [sflag:s9], $0x4000  }
0x5c: {  	[sflag:s9] =	ssyncset.done $0x0  }
0x5d: {  	[sflag:s9] =	ssyncadd.s32 $0xFFFFC000  }
0x5e: {  	[tilespmem:s11], [sflag:$0x5] =	stream.indirect.gather [hbm4b:s8+s16], $0x80, s26, s16, $0xb8;
	[tilespmem:$0x18600] =	vst v63  }
0x5f: {  	_ =	swait.ge [sflag:s17], $0x4000  }
0x60: {  	[sflag:s17] =	ssyncset.done $0x0  }
0x61: {  	s1 =	rddreg [dreg:$0xa];
	[sflag:s17] =	ssyncadd.s32 $0xFFFFC000  }
0x62: {  	[hbm4b:s1+s2] =	stream.linear.scatter [tilespmem:s7], [sflag:$0xC], $0x4000, $0x38;
	[tilespmem:$0x18600] =	vst v63  }
0x63: {  	_ =	swait.ge [sflag:s10], $0x4000  }
0x64: {  	[sflag:s10] =	ssyncset.done $0x0  }
0x65: {  	[sflag:s10] =	ssyncadd.s32 $0xFFFFC000  }
0x66: {  	[tilespmem:s7], [sflag:$0x6] =	stream.indirect.gather [hbm4b:s8+s16], $0x80, s25, s16, $0xb8;
	[tilespmem:$0x18600] =	vst v63  }
0x67: {  	_ =	swait.ge [sflag:s22], $0x4000  }
0x68: {  	[sflag:s22] =	ssyncset.done $0x0  }
0x69: {  	s1 =	rddreg [dreg:$0xb];
	[sflag:s22] =	ssyncadd.s32 $0xFFFFC000  }
0x6a: {  	[hbm4b:s1+s2] =	stream.linear.scatter [tilespmem:s15], [sflag:$0x7], $0x4000, $0x38;
	[tilespmem:$0x18600] =	vst v63  }
0x6b: {  	_ =	swait.ge [sflag:s21], $0x4000  }
0x6c: {  	[sflag:s21] =	ssyncset.done $0x0  }
0x6d: {  	s1 =	rddreg [dreg:$0xc];
	[sflag:s21] =	ssyncadd.s32 $0xFFFFC000  }
0x6e: {  	[hbm4b:s1+s2] =	stream.linear.scatter [tilespmem:s14], [sflag:$0x8], $0x4000, $0x38;
	[tilespmem:$0x18600] =	vst v63  }
0x6f: {  	_ =	swait.ge [sflag:s20], $0x4000  }
0x70: {  	[sflag:s20] =	ssyncset.done $0x0  }
0x71: {  	s1 =	rddreg [dreg:$0xd];
	[sflag:s20] =	ssyncadd.s32 $0xFFFFC000  }
0x72: {  	[hbm4b:s1+s2] =	stream.linear.scatter [tilespmem:s13], [sflag:$0x9], $0x4000, $0x38;
	[tilespmem:$0x18600] =	vst v63  }
0x73: {  	_ =	swait.ge [sflag:s18], $0x4000  }
0x74: {  	[sflag:s18] =	ssyncset.done $0x0  }
0x75: {  	s1 =	rddreg [dreg:$0xe];
	[sflag:s18] =	ssyncadd.s32 $0xFFFFC000  }
0x76: {  	[hbm4b:s1+s2] =	stream.linear.scatter [tilespmem:s12], [sflag:$0xA], $0x4000, $0x38;
	[tilespmem:$0x18600] =	vst v63  }
0x77: {  	_ =	swait.ge [sflag:s19], $0x4000  }
0x78: {  	[sflag:s19] =	ssyncset.done $0x0  }
0x79: {  	s1 =	rddreg [dreg:$0xf];
	[sflag:s19] =	ssyncadd.s32 $0xFFFFC000  }
0x7a: {  	[hbm4b:s1+s2] =	stream.linear.scatter [tilespmem:s11], [sflag:$0xB], $0x4000, $0x38;
	[tilespmem:$0x18600] =	vst v63  }
0x7b: {  	_ =	swait.ge [sflag:s17], $0x4000  }
0x7c: {  	[sflag:s17] =	ssyncset.done $0x0  }
0x7d: {  	s1 =	rddreg [dreg:$0x10];
	[sflag:s17] =	ssyncadd.s32 $0xFFFFC000  }
0x7e: {  	[hbm4b:s1+s2] =	stream.linear.scatter [tilespmem:s7], [sflag:$0xC], $0x4000, $0x38;
	[tilespmem:$0x18600] =	vst v63  }
0x7f: {  	_ =	swait.ge [sflag:s4], $0x4000  }
0x80: {  	[sflag:s4] =	ssyncset.done $0x0  }
0x81: {  	[sflag:s4] =	ssyncadd.s32 $0xFFFFC000  }
0x82: {  	_ =	swait.ge [sflag:s5], $0x4000  }
0x83: {  	[sflag:s5] =	ssyncset.done $0x0  }
0x84: {  	[sflag:s5] =	ssyncadd.s32 $0xFFFFC000  }
0x85: {  	_ =	swait.ge [sflag:s6], $0x4000  }
0x86: {  	[sflag:s6] =	ssyncset.done $0x0  }
0x87: {  	[sflag:s6] =	ssyncadd.s32 $0xFFFFC000  }
0x88: {  	_ =	swait.ge [sflag:s3], $0x4000  }
0x89: {  	[sflag:s3] =	ssyncset.done $0x0  }
0x8a: {  	p1 =	sne.s32 s24, $0x1;
	[sflag:s3] =	ssyncadd.s32 $0xFFFFC000  }
.Ltmp1:
0x8b: {  	_ =	swait.ge [sflag:s9], $0x4000;
	(pc) =	sbr.rel @!p1 .LBB2_3-.Ltmp1, $4  }
0x8c: {  	[sflag:s9] =	ssyncset.done $0x0  }
0x8d: {  	[sflag:s9] =	ssyncadd.s32 $0xFFFFC000  }
0x8e: {  	p0 =	por $0x1, $0x1;
	_ =	swait.ge [sflag:s10], $0x4000  }
0x8f: {  	s1 =	sadd.s32 $0xFFFFFFFF, s24;
	s0 =	rddreg [dreg:$0x2];
	[sflag:s10] =	ssyncset.done $0x0  }
.LBB2_4:
0x90: {  	[sflag:s10] =	ssyncadd.s32 $0xFFFFC000  }
0x91: {  	[tilespmem:s2], [sflag:$0xD] =	stream.linear.gather [hbm4b:s0+s2], $0x200, $0x38;
	[tilespmem:$0x18600] =	vst v63  }
0x92: {  	_ =	swait.ge [sflag:s30], $0x200  }
0x93: {  	[sflag:s30] =	ssyncset.done $0x0  }
0x94: {  	s24 =	rddreg [dreg:$0x3];
	[sflag:s30] =	ssyncadd.s32 $0xFFFFFE00  }
0x95: {  	[tilespmem:s28], [sflag:$0xD] =	stream.linear.gather [hbm4b:s24+s2], $0x200, $0x38;
	[tilespmem:$0x18600] =	vst v63  }
0x96: {  	_ =	swait.ge [sflag:s30], $0x200  }
0x97: {  	[sflag:s30] =	ssyncset.done $0x0  }
0x98: {  	s24 =	rddreg [dreg:$0x4];
	[sflag:s30] =	ssyncadd.s32 $0xFFFFFE00  }
0x99: {  	[tilespmem:s23], [sflag:$0xD] =	stream.linear.gather [hbm4b:s24+s2], $0x200, $0x38;
	[tilespmem:$0x18600] =	vst v63  }
0x9a: {  	_ =	swait.ge [sflag:s30], $0x200  }
0x9b: {  	[sflag:s30] =	ssyncset.done $0x0  }
0x9c: {  	[sflag:s30] =	ssyncadd.s32 $0xFFFFFE00  }
0x9d: {  	[tilespmem:s15], [sflag:$0x1] =	stream.indirect.gather [hbm4b:s8+s16], $0x80, s2, s16, $0xb8;
	[tilespmem:$0x18600] =	vst v63  }
0x9e: {  	_ = 	snop  }
0x9f: {  	[tilespmem:s14], [sflag:$0x2] =	stream.indirect.gather [hbm4b:s8+s16], $0x80, s16, s16, $0xb8;
	[tilespmem:$0x18600] =	vst v63  }
0xa0: {  	s0 =	rddreg [dreg:$0x11]  }
0xa1: {  	[tilespmem:s13], [sflag:$0x3] =	stream.indirect.gather [hbm4b:s8+s16], $0x80, s0, s16, $0xb8;
	[tilespmem:$0x18600] =	vst v63  }
0xa2: {  	s24 =	rddreg [dreg:$0x12]  }
0xa3: {  	[tilespmem:s12], [sflag:$0x4] =	stream.indirect.gather [hbm4b:s8+s16], $0x80, s24, s16, $0xb8;
	[tilespmem:$0x18600] =	vst v63  }
0xa4: {  	_ = 	snop  }
0xa5: {  	[tilespmem:s11], [sflag:$0x5] =	stream.indirect.gather [hbm4b:s8+s16], $0x80, s28, s16, $0xb8;
	[tilespmem:$0x18600] =	vst v63  }
0xa6: {  	s24 =	rddreg [dreg:$0x13]  }
0xa7: {  	[tilespmem:s7], [sflag:$0x6] =	stream.indirect.gather [hbm4b:s8+s16], $0x80, s24, s16, $0xb8;
	[tilespmem:$0x18600] =	vst v63  }
0xa8: {  	_ =	swait.ge [sflag:s22], $0x4000  }
0xa9: {  	[sflag:s22] =	ssyncset.done $0x0  }
0xaa: {  	s24 =	rddreg [dreg:$0x5];
	[sflag:s22] =	ssyncadd.s32 $0xFFFFC000  }
0xab: {  	[hbm4b:s24+s2] =	stream.linear.scatter [tilespmem:s15], [sflag:$0x7], $0x4000, $0x38;
	[tilespmem:$0x18600] =	vst v63  }
0xac: {  	_ =	swait.ge [sflag:s4], $0x4000  }
0xad: {  	[sflag:s4] =	ssyncset.done $0x0  }
0xae: {  	s24 =	simm.s32 $0x300;
	[sflag:s4] =	ssyncadd.s32 $0xFFFFC000  }
0xaf: {  	[tilespmem:s15], [sflag:$0x1] =	stream.indirect.gather [hbm4b:s8+s16], $0x80, s24, s16, $0xb8;
	[tilespmem:$0x18600] =	vst v63  }
0xb0: {  	_ =	swait.ge [sflag:s21], $0x4000  }
0xb1: {  	[sflag:s21] =	ssyncset.done $0x0  }
0xb2: {  	s24 =	rddreg [dreg:$0x6];
	[sflag:s21] =	ssyncadd.s32 $0xFFFFC000  }
0xb3: {  	[hbm4b:s24+s2] =	stream.linear.scatter [tilespmem:s14], [sflag:$0x8], $0x4000, $0x38;
	[tilespmem:$0x18600] =	vst v63  }
0xb4: {  	_ =	swait.ge [sflag:s5], $0x4000  }
0xb5: {  	[sflag:s5] =	ssyncset.done $0x0  }
0xb6: {  	[sflag:s5] =	ssyncadd.s32 $0xFFFFC000  }
0xb7: {  	[tilespmem:s14], [sflag:$0x2] =	stream.indirect.gather [hbm4b:s8+s16], $0x80, s31, s16, $0xb8;
	[tilespmem:$0x18600] =	vst v63  }
0xb8: {  	_ =	swait.ge [sflag:s20], $0x4000  }
0xb9: {  	[sflag:s20] =	ssyncset.done $0x0  }
0xba: {  	s24 =	rddreg [dreg:$0x7];
	[sflag:s20] =	ssyncadd.s32 $0xFFFFC000  }
0xbb: {  	[hbm4b:s24+s2] =	stream.linear.scatter [tilespmem:s13], [sflag:$0x9], $0x4000, $0x38;
	[tilespmem:$0x18600] =	vst v63  }
0xbc: {  	_ =	swait.ge [sflag:s6], $0x4000  }
0xbd: {  	[sflag:s6] =	ssyncset.done $0x0  }
0xbe: {  	[sflag:s6] =	ssyncadd.s32 $0xFFFFC000  }
0xbf: {  	[tilespmem:s13], [sflag:$0x3] =	stream.indirect.gather [hbm4b:s8+s16], $0x80, s23, s16, $0xb8;
	[tilespmem:$0x18600] =	vst v63  }
0xc0: {  	_ =	swait.ge [sflag:s18], $0x4000  }
0xc1: {  	[sflag:s18] =	ssyncset.done $0x0  }
0xc2: {  	s24 =	rddreg [dreg:$0x8];
	[sflag:s18] =	ssyncadd.s32 $0xFFFFC000  }
0xc3: {  	[hbm4b:s24+s2] =	stream.linear.scatter [tilespmem:s12], [sflag:$0xA], $0x4000, $0x38;
	[tilespmem:$0x18600] =	vst v63  }
0xc4: {  	_ =	swait.ge [sflag:s3], $0x4000  }
0xc5: {  	[sflag:s3] =	ssyncset.done $0x0  }
0xc6: {  	[sflag:s3] =	ssyncadd.s32 $0xFFFFC000  }
0xc7: {  	[tilespmem:s12], [sflag:$0x4] =	stream.indirect.gather [hbm4b:s8+s16], $0x80, s29, s16, $0xb8;
	[tilespmem:$0x18600] =	vst v63  }
0xc8: {  	_ =	swait.ge [sflag:s19], $0x4000  }
0xc9: {  	[sflag:s19] =	ssyncset.done $0x0  }
0xca: {  	s24 =	rddreg [dreg:$0x9];
	[sflag:s19] =	ssyncadd.s32 $0xFFFFC000  }
0xcb: {  	[hbm4b:s24+s2] =	stream.linear.scatter [tilespmem:s11], [sflag:$0xB], $0x4000, $0x38;
	[tilespmem:$0x18600] =	vst v63  }
0xcc: {  	_ =	swait.ge [sflag:s9], $0x4000  }
0xcd: {  	[sflag:s9] =	ssyncset.done $0x0  }
0xce: {  	[sflag:s9] =	ssyncadd.s32 $0xFFFFC000  }
0xcf: {  	[tilespmem:s11], [sflag:$0x5] =	stream.indirect.gather [hbm4b:s8+s16], $0x80, s26, s16, $0xb8;
	[tilespmem:$0x18600] =	vst v63  }
0xd0: {  	_ =	swait.ge [sflag:s17], $0x4000  }
0xd1: {  	[sflag:s17] =	ssyncset.done $0x0  }
0xd2: {  	s24 =	rddreg [dreg:$0xa];
	[sflag:s17] =	ssyncadd.s32 $0xFFFFC000  }
0xd3: {  	[hbm4b:s24+s2] =	stream.linear.scatter [tilespmem:s7], [sflag:$0xC], $0x4000, $0x38;
	[tilespmem:$0x18600] =	vst v63  }
0xd4: {  	_ =	swait.ge [sflag:s10], $0x4000  }
0xd5: {  	[sflag:s10] =	ssyncset.done $0x0  }
0xd6: {  	[sflag:s10] =	ssyncadd.s32 $0xFFFFC000  }
0xd7: {  	[tilespmem:s7], [sflag:$0x6] =	stream.indirect.gather [hbm4b:s8+s16], $0x80, s25, s16, $0xb8;
	[tilespmem:$0x18600] =	vst v63  }
0xd8: {  	_ =	swait.ge [sflag:s22], $0x4000  }
0xd9: {  	[sflag:s22] =	ssyncset.done $0x0  }
0xda: {  	s24 =	rddreg [dreg:$0xb];
	[sflag:s22] =	ssyncadd.s32 $0xFFFFC000  }
0xdb: {  	[hbm4b:s24+s2] =	stream.linear.scatter [tilespmem:s15], [sflag:$0x7], $0x4000, $0x38;
	[tilespmem:$0x18600] =	vst v63  }
0xdc: {  	_ =	swait.ge [sflag:s21], $0x4000  }
0xdd: {  	[sflag:s21] =	ssyncset.done $0x0  }
0xde: {  	s24 =	rddreg [dreg:$0xc];
	[sflag:s21] =	ssyncadd.s32 $0xFFFFC000  }
0xdf: {  	[hbm4b:s24+s2] =	stream.linear.scatter [tilespmem:s14], [sflag:$0x8], $0x4000, $0x38;
	[tilespmem:$0x18600] =	vst v63  }
0xe0: {  	_ =	swait.ge [sflag:s20], $0x4000  }
0xe1: {  	[sflag:s20] =	ssyncset.done $0x0  }
0xe2: {  	s24 =	rddreg [dreg:$0xd];
	[sflag:s20] =	ssyncadd.s32 $0xFFFFC000  }
0xe3: {  	[hbm4b:s24+s2] =	stream.linear.scatter [tilespmem:s13], [sflag:$0x9], $0x4000, $0x38;
	[tilespmem:$0x18600] =	vst v63  }
0xe4: {  	_ =	swait.ge [sflag:s18], $0x4000  }
0xe5: {  	[sflag:s18] =	ssyncset.done $0x0  }
0xe6: {  	s24 =	rddreg [dreg:$0xe];
	[sflag:s18] =	ssyncadd.s32 $0xFFFFC000  }
0xe7: {  	[hbm4b:s24+s2] =	stream.linear.scatter [tilespmem:s12], [sflag:$0xA], $0x4000, $0x38;
	[tilespmem:$0x18600] =	vst v63  }
0xe8: {  	_ =	swait.ge [sflag:s19], $0x4000  }
0xe9: {  	[sflag:s19] =	ssyncset.done $0x0  }
0xea: {  	s24 =	rddreg [dreg:$0xf];
	[sflag:s19] =	ssyncadd.s32 $0xFFFFC000  }
0xeb: {  	[hbm4b:s24+s2] =	stream.linear.scatter [tilespmem:s11], [sflag:$0xB], $0x4000, $0x38;
	[tilespmem:$0x18600] =	vst v63  }
0xec: {  	_ =	swait.ge [sflag:s17], $0x4000  }
0xed: {  	[sflag:s17] =	ssyncset.done $0x0  }
0xee: {  	s24 =	rddreg [dreg:$0x10];
	[sflag:s17] =	ssyncadd.s32 $0xFFFFC000  }
0xef: {  	[hbm4b:s24+s2] =	stream.linear.scatter [tilespmem:s7], [sflag:$0xC], $0x4000, $0x38;
	[tilespmem:$0x18600] =	vst v63  }
0xf0: {  	_ =	swait.ge [sflag:s4], $0x4000  }
0xf1: {  	[sflag:s4] =	ssyncset.done $0x0  }
0xf2: {  	[sflag:s4] =	ssyncadd.s32 $0xFFFFC000  }
0xf3: {  	_ =	swait.ge [sflag:s5], $0x4000  }
0xf4: {  	[sflag:s5] =	ssyncset.done $0x0  }
0xf5: {  	[sflag:s5] =	ssyncadd.s32 $0xFFFFC000  }
0xf6: {  	_ =	swait.ge [sflag:s6], $0x4000  }
0xf7: {  	[sflag:s6] =	ssyncset.done $0x0  }
0xf8: {  	[sflag:s6] =	ssyncadd.s32 $0xFFFFC000  }
0xf9: {  	_ =	swait.ge [sflag:s3], $0x4000  }
0xfa: {  	[sflag:s3] =	ssyncset.done $0x0  }
0xfb: {  	p1 =	sne.s32 s1, $0x1;
	[sflag:s3] =	ssyncadd.s32 $0xFFFFC000  }
.Ltmp2:
0xfc: {  	_ =	swait.ge [sflag:s9], $0x4000;
	(pc) =	sbr.rel @p1 .LBB2_4-.Ltmp2, $4  }
0xfd: {  	[sflag:s9] =	ssyncset.done $0x0  }
0xfe: {  	[sflag:s9] =	ssyncadd.s32 $0xFFFFC000  }
0xff: {  	_ =	swait.ge [sflag:s10], $0x4000  }
0x100: {  	s1 =	sadd.s32 $0xFFFFFFFF, s1;
	s0 =	rddreg [dreg:$0x2];
	[sflag:s10] =	ssyncset.done $0x0  }
0x101: {  	s24 =	simm.s32 $0x300;
	s31 =	simm.s32 $0x380  }
0x102: {  	s29 =	simm.s32 $0x480;
	s26 =	simm.s32 $0x500;
	s25 =	simm.s32 $0x580  }
.LBB2_6:
0x103: {  	[sflag:s10] =	ssyncadd.s32 @p0 $0xFFFFC000  }
0x104: {  	[tilespmem:s2], [sflag:$0xD] =	stream.linear.gather [hbm4b:s0+s2], $0x200, $0x38;
	[tilespmem:$0x18600] =	vst v63  }
0x105: {  	_ =	swait.ge [sflag:s30], $0x200  }
0x106: {  	[sflag:s30] =	ssyncset.done $0x0  }
0x107: {  	s1 =	rddreg [dreg:$0x3];
	[sflag:s30] =	ssyncadd.s32 $0xFFFFFE00  }
0x108: {  	[tilespmem:s28], [sflag:$0xD] =	stream.linear.gather [hbm4b:s1+s2], $0x200, $0x38;
	[tilespmem:$0x18600] =	vst v63  }
0x109: {  	_ =	swait.ge [sflag:s30], $0x200  }
0x10a: {  	[sflag:s30] =	ssyncset.done $0x0  }
0x10b: {  	s1 =	rddreg [dreg:$0x4];
	[sflag:s30] =	ssyncadd.s32 $0xFFFFFE00  }
0x10c: {  	[tilespmem:s23], [sflag:$0xD] =	stream.linear.gather [hbm4b:s1+s2], $0x200, $0x38;
	[tilespmem:$0x18600] =	vst v63  }
0x10d: {  	_ =	swait.ge [sflag:s30], $0x200  }
0x10e: {  	[sflag:s30] =	ssyncset.done $0x0  }
0x10f: {  	[sflag:s30] =	ssyncadd.s32 $0xFFFFFE00  }
0x110: {  	[tilespmem:s15], [sflag:$0x1] =	stream.indirect.gather [hbm4b:s8+s16], $0x80, s2, s16, $0xb8;
	[tilespmem:$0x18600] =	vst v63  }
0x111: {  	_ = 	snop  }
0x112: {  	[tilespmem:s14], [sflag:$0x2] =	stream.indirect.gather [hbm4b:s8+s16], $0x80, s16, s16, $0xb8;
	[tilespmem:$0x18600] =	vst v63  }
0x113: {  	s30 =	rddreg [dreg:$0x11]  }
0x114: {  	[tilespmem:s13], [sflag:$0x3] =	stream.indirect.gather [hbm4b:s8+s16], $0x80, s30, s16, $0xb8;
	[tilespmem:$0x18600] =	vst v63  }
0x115: {  	s1 =	rddreg [dreg:$0x12]  }
0x116: {  	[tilespmem:s12], [sflag:$0x4] =	stream.indirect.gather [hbm4b:s8+s16], $0x80, s1, s16, $0xb8;
	[tilespmem:$0x18600] =	vst v63  }
0x117: {  	_ = 	snop  }
0x118: {  	[tilespmem:s11], [sflag:$0x5] =	stream.indirect.gather [hbm4b:s8+s16], $0x80, s28, s16, $0xb8;
	[tilespmem:$0x18600] =	vst v63  }
0x119: {  	s30 =	rddreg [dreg:$0x13]  }
0x11a: {  	[tilespmem:s7], [sflag:$0x6] =	stream.indirect.gather [hbm4b:s8+s16], $0x80, s30, s16, $0xb8;
	[tilespmem:$0x18600] =	vst v63  }
0x11b: {  	_ =	swait.ge [sflag:s22], $0x4000  }
0x11c: {  	[sflag:s22] =	ssyncset.done $0x0  }
0x11d: {  	s1 =	rddreg [dreg:$0x5];
	[sflag:s22] =	ssyncadd.s32 $0xFFFFC000  }
0x11e: {  	[hbm4b:s1+s2] =	stream.linear.scatter [tilespmem:s15], [sflag:$0x7], $0x4000, $0x38;
	[tilespmem:$0x18600] =	vst v63  }
0x11f: {  	_ =	swait.ge [sflag:s4], $0x4000  }
0x120: {  	[sflag:s4] =	ssyncset.done $0x0  }
0x121: {  	[sflag:s4] =	ssyncadd.s32 $0xFFFFC000  }
0x122: {  	[tilespmem:s15], [sflag:$0x1] =	stream.indirect.gather [hbm4b:s8+s16], $0x80, s24, s16, $0xb8;
	[tilespmem:$0x18600] =	vst v63  }
0x123: {  	_ =	swait.ge [sflag:s21], $0x4000  }
0x124: {  	[sflag:s21] =	ssyncset.done $0x0  }
0x125: {  	s28 =	rddreg [dreg:$0x6];
	[sflag:s21] =	ssyncadd.s32 $0xFFFFC000  }
0x126: {  	[hbm4b:s28+s2] =	stream.linear.scatter [tilespmem:s14], [sflag:$0x8], $0x4000, $0x38;
	[tilespmem:$0x18600] =	vst v63  }
0x127: {  	_ =	swait.ge [sflag:s5], $0x4000  }
0x128: {  	[sflag:s5] =	ssyncset.done $0x0  }
0x129: {  	[sflag:s5] =	ssyncadd.s32 $0xFFFFC000  }
0x12a: {  	[tilespmem:s14], [sflag:$0x2] =	stream.indirect.gather [hbm4b:s8+s16], $0x80, s31, s16, $0xb8;
	[tilespmem:$0x18600] =	vst v63  }
0x12b: {  	_ =	swait.ge [sflag:s20], $0x4000  }
0x12c: {  	[sflag:s20] =	ssyncset.done $0x0  }
0x12d: {  	s30 =	rddreg [dreg:$0x7];
	[sflag:s20] =	ssyncadd.s32 $0xFFFFC000  }
0x12e: {  	[hbm4b:s30+s2] =	stream.linear.scatter [tilespmem:s13], [sflag:$0x9], $0x4000, $0x38;
	[tilespmem:$0x18600] =	vst v63  }
0x12f: {  	_ =	swait.ge [sflag:s6], $0x4000  }
0x130: {  	[sflag:s6] =	ssyncset.done $0x0  }
0x131: {  	[sflag:s6] =	ssyncadd.s32 $0xFFFFC000  }
0x132: {  	[tilespmem:s13], [sflag:$0x3] =	stream.indirect.gather [hbm4b:s8+s16], $0x80, s23, s16, $0xb8;
	[tilespmem:$0x18600] =	vst v63  }
0x133: {  	_ =	swait.ge [sflag:s18], $0x4000  }
0x134: {  	[sflag:s18] =	ssyncset.done $0x0  }
0x135: {  	s31 =	rddreg [dreg:$0x8];
	[sflag:s18] =	ssyncadd.s32 $0xFFFFC000  }
0x136: {  	[hbm4b:s31+s2] =	stream.linear.scatter [tilespmem:s12], [sflag:$0xA], $0x4000, $0x38;
	[tilespmem:$0x18600] =	vst v63  }
0x137: {  	_ =	swait.ge [sflag:s3], $0x4000  }
0x138: {  	[sflag:s3] =	ssyncset.done $0x0  }
0x139: {  	[sflag:s3] =	ssyncadd.s32 $0xFFFFC000  }
0x13a: {  	[tilespmem:s12], [sflag:$0x4] =	stream.indirect.gather [hbm4b:s8+s16], $0x80, s29, s16, $0xb8;
	[tilespmem:$0x18600] =	vst v63  }
0x13b: {  	_ =	swait.ge [sflag:s19], $0x4000  }
0x13c: {  	[sflag:s19] =	ssyncset.done $0x0  }
0x13d: {  	s1 =	rddreg [dreg:$0x9];
	[sflag:s19] =	ssyncadd.s32 $0xFFFFC000  }
0x13e: {  	[hbm4b:s1+s2] =	stream.linear.scatter [tilespmem:s11], [sflag:$0xB], $0x4000, $0x38;
	[tilespmem:$0x18600] =	vst v63  }
0x13f: {  	_ =	swait.ge [sflag:s9], $0x4000  }
0x140: {  	[sflag:s9] =	ssyncset.done $0x0  }
0x141: {  	[sflag:s9] =	ssyncadd.s32 $0xFFFFC000  }
0x142: {  	[tilespmem:s11], [sflag:$0x5] =	stream.indirect.gather [hbm4b:s8+s16], $0x80, s26, s16, $0xb8;
	[tilespmem:$0x18600] =	vst v63  }
0x143: {  	_ =	swait.ge [sflag:s17], $0x4000  }
0x144: {  	[sflag:s17] =	ssyncset.done $0x0  }
0x145: {  	s23 =	rddreg [dreg:$0xa];
	[sflag:s17] =	ssyncadd.s32 $0xFFFFC000  }
0x146: {  	[hbm4b:s23+s2] =	stream.linear.scatter [tilespmem:s7], [sflag:$0xC], $0x4000, $0x38;
	[tilespmem:$0x18600] =	vst v63  }
0x147: {  	_ =	swait.ge [sflag:s10], $0x4000  }
0x148: {  	[sflag:s10] =	ssyncset.done $0x0  }
0x149: {  	[sflag:s10] =	ssyncadd.s32 $0xFFFFC000  }
0x14a: {  	[tilespmem:s7], [sflag:$0x6] =	stream.indirect.gather [hbm4b:s8+s16], $0x80, s25, s16, $0xb8;
	[tilespmem:$0x18600] =	vst v63  }
0x14b: {  	_ =	swait.ge [sflag:s22], $0x4000  }
0x14c: {  	[sflag:s22] =	ssyncset.done $0x0  }
0x14d: {  	s24 =	rddreg [dreg:$0xb];
	[sflag:s22] =	ssyncadd.s32 $0xFFFFC000  }
0x14e: {  	[hbm4b:s24+s2] =	stream.linear.scatter [tilespmem:s15], [sflag:$0x7], $0x4000, $0x38;
	[tilespmem:$0x18600] =	vst v63  }
0x14f: {  	_ =	swait.ge [sflag:s21], $0x4000  }
0x150: {  	[sflag:s21] =	ssyncset.done $0x0  }
0x151: {  	s25 =	rddreg [dreg:$0xc];
	[sflag:s21] =	ssyncadd.s32 $0xFFFFC000  }
0x152: {  	[hbm4b:s25+s2] =	stream.linear.scatter [tilespmem:s14], [sflag:$0x8], $0x4000, $0x38;
	[tilespmem:$0x18600] =	vst v63  }
0x153: {  	_ =	swait.ge [sflag:s20], $0x4000  }
0x154: {  	[sflag:s20] =	ssyncset.done $0x0  }
0x155: {  	s26 =	rddreg [dreg:$0xd];
	[sflag:s20] =	ssyncadd.s32 $0xFFFFC000  }
0x156: {  	[hbm4b:s26+s2] =	stream.linear.scatter [tilespmem:s13], [sflag:$0x9], $0x4000, $0x38;
	[tilespmem:$0x18600] =	vst v63  }
0x157: {  	_ =	swait.ge [sflag:s18], $0x4000  }
0x158: {  	[sflag:s18] =	ssyncset.done $0x0  }
0x159: {  	s28 =	rddreg [dreg:$0xe];
	[sflag:s18] =	ssyncadd.s32 $0xFFFFC000  }
0x15a: {  	[hbm4b:s28+s2] =	stream.linear.scatter [tilespmem:s12], [sflag:$0xA], $0x4000, $0x38;
	[tilespmem:$0x18600] =	vst v63  }
0x15b: {  	_ =	swait.ge [sflag:s19], $0x4000  }
0x15c: {  	[sflag:s19] =	ssyncset.done $0x0  }
0x15d: {  	s29 =	rddreg [dreg:$0xf];
	[sflag:s19] =	ssyncadd.s32 $0xFFFFC000  }
0x15e: {  	[hbm4b:s29+s2] =	stream.linear.scatter [tilespmem:s11], [sflag:$0xB], $0x4000, $0x38;
	[tilespmem:$0x18600] =	vst v63  }
0x15f: {  	_ =	swait.ge [sflag:s17], $0x4000  }
0x160: {  	[sflag:s17] =	ssyncset.done $0x0  }
0x161: {  	s30 =	rddreg [dreg:$0x10];
	[sflag:s17] =	ssyncadd.s32 $0xFFFFC000  }
0x162: {  	[hbm4b:s30+s2] =	stream.linear.scatter [tilespmem:s7], [sflag:$0xC], $0x4000, $0x38;
	[tilespmem:$0x18600] =	vst v63  }
0x163: {  	_ =	swait.ge [sflag:s4], $0x4000  }
0x164: {  	[sflag:s4] =	ssyncset.done $0x0  }
0x165: {  	[sflag:s4] =	ssyncadd.s32 $0xFFFFC000  }
0x166: {  	_ =	swait.ge [sflag:s5], $0x4000  }
0x167: {  	[sflag:s5] =	ssyncset.done $0x0  }
0x168: {  	[sflag:s5] =	ssyncadd.s32 $0xFFFFC000  }
0x169: {  	_ =	swait.ge [sflag:s6], $0x4000  }
0x16a: {  	[sflag:s6] =	ssyncset.done $0x0  }
0x16b: {  	[sflag:s6] =	ssyncadd.s32 $0xFFFFC000  }
0x16c: {  	_ =	swait.ge [sflag:s3], $0x4000  }
0x16d: {  	[sflag:s3] =	ssyncset.done $0x0  }
0x16e: {  	[sflag:s3] =	ssyncadd.s32 $0xFFFFC000  }
0x16f: {  	_ =	swait.ge [sflag:s9], $0x4000  }
0x170: {  	[sflag:s9] =	ssyncset.done $0x0  }
0x171: {  	[sflag:s9] =	ssyncadd.s32 $0xFFFFC000  }
0x172: {  	_ =	swait.ge [sflag:s10], $0x4000  }
0x173: {  	[sflag:s10] =	ssyncset.done $0x0  }
0x174: {  	[sflag:s10] =	ssyncadd.s32 $0xFFFFC000  }
0x175: {  	_ =	sfence.sel $0x180000  }
0x176: {  	[bflag:$0x0] =	sbarrier.arrive $0xFFFF  }
0x177: {  	_ =	strace $0x90000047  }
0x178: {  	s31 =	stileid.u32;
	[bflag:$0x2] =	sbarrier.arrive $0xFFFF  }
0x179: {  	p0 =	sne.s32 s31, $0x0;
	s0 =	rddreg [dreg:$0x1]  }
0x17a: {  	s0 =	sadd.s32 @!p0 $0x100000, s0  }
0x17b: {  	[sflag:s0] =	ssyncadd.tile.s32 @!p0 $0x1;
	_ =	shalt  }
.LBB2_1:
.Ltmp3:
0x17c: {  	(pc) =	sbr.rel .LBB2_6-.Ltmp3, $3  }
0x17d: {  	_ =	sdelay $0x1  }
0x17e: {  	s24 =	simm.s32 $0x300;
	s31 =	simm.s32 $0x380  }
0x17f: {  	s29 =	simm.s32 $0x480;
	s26 =	simm.s32 $0x500;
	s25 =	simm.s32 $0x580  }
.LBB2_3:
.Ltmp4:
0x180: {  	(pc) =	sbr.rel .LBB2_6-.Ltmp4, $3  }
0x181: {  	_ =	sdelay $0x1  }
0x182: {  	s24 =	simm.s32 $0x300;
	s31 =	simm.s32 $0x380  }
0x183: {  	s29 =	simm.s32 $0x480;
	s26 =	simm.s32 $0x500;
	s25 =	simm.s32 $0x580  }
.Lfunc_end2:
_tile_overlayer_lowered:
.L_overlay_start_2:
0x184: {  	(tag) =	ssettag $0x2  }
0x185: {  	s0 =	rddreg [dreg:$0x0];
	s2 =	stileid.u32  }
0x186: {  	s1 =	rddreg [dreg:$0x1];
	p0 =	sne.s32 s2, $0x0  }
0x187: {  	s3 =	rddreg [dreg:$0x2];
	[bflag:$0x3] =	sbarrier.arrive $0xFFFF;
	s2 =	simm.s32 @!p0 $0x1C0D  }
0x188: {  	[timem:s3], [sflag:s2] =	dma.local @!p0 [hbm:s0], s1  }
0x189: {  	s0 =	simm.s32 @!p0 $0xD  }
0x18a: {  	_ =	swait.ge @!p0 [sflag:s0], s1  }
0x18b: {  	s1 =	ssub.s32 @!p0 $0x0, s1;
	[sflag:s0] =	ssyncset.done @!p0 $0x0  }
0x18c: {  	[sflag:s0] =	ssyncadd.s32 @!p0 s1  }
0x18d: {  	[bflag:$0x3] =	sbarrier.arrive $0xFFFF  }
0x18e: {  	_ =	shalt  }

</sc_bundles>
